<compile_context>
chip_gen: v7x
topology: tpu7x:2x2x1
jax: 0.10.2.dev20260603
libtpu: 0.0.44.dev20260713+nightly
codegen_flags: <defaults>
</compile_context>

<pallas_src>
import functools

import jax
import jax.numpy as jnp
from jax import lax
from jax.experimental import pallas as pl
from jax.experimental.pallas import tpu as pltpu
from jax.experimental.pallas import tpu_sc as plsc

_BATCH = 4096
_SEQ = 200
_DIM = 32
_VOCAB = 1000

_NC = 2
_NS = 16
_NW = _NC * _NS

_BT = _BATCH // 128
_ST = _SEQ // 8
_DT = _DIM // 8
_PAD = 40

assert _BT == _NW


def _body(xt_hbm, tab_hbm, pos_hbm, out_hbm, idx_v, stage_v, out_v, pos_v,
          semi, semg, semo):
  w = lax.axis_index("s") * _NC + lax.axis_index("c")
  lane = lax.iota(jnp.int32, 16)

  pltpu.sync_copy(pos_hbm, pos_v)

  def fire_gathers(buf, wait=False):
    for sr in range(8):
      cp = (tab_hbm.at[idx_v.at[buf, sr]],
            stage_v.at[buf, pl.ds(sr * 128, 128)], semg)
      if wait:
        pltpu.make_async_copy(*cp).wait()
      else:
        pltpu.async_copy(*cp)

  pltpu.sync_copy(xt_hbm.at[0, w], idx_v.at[0])
  fire_gathers(0)
  pltpu.async_copy(xt_hbm.at[1, w], idx_v.at[1], semi)

  def st_body(st, carry):
    cur = lax.rem(st, 2)
    nxt = 1 - cur
    st1 = jnp.minimum(st + 1, _ST - 1)
    st2 = jnp.minimum(st + 2, _ST - 1)

    fire_gathers(cur, wait=True)
    pltpu.make_async_copy(
        xt_hbm.at[st1, w], idx_v.at[nxt], semi).wait()
    pltpu.async_copy(xt_hbm.at[st2, w], idx_v.at[cur], semi)
    fire_gathers(nxt)

    @pl.when(st > 0)
    def _():
      pltpu.make_async_copy(
          out_v, out_hbm.at[pl.ds(8 * (st - 1), 8), :, w], semo).wait()

    @plsc.parallel_loop(0, _DT * 64, unroll=2)
    def u_body(u):
      j = lax.rem(u, 8)
      sr = lax.rem(u // 8, 8)
      dt = u // 64
      d_lo = 8 * dt
      s = 8 * st + sr
      pr0 = pos_v[s, pl.ds(0, 16)]
      pr1 = pos_v[s, pl.ds(16, 16)]
      pr = jnp.where(dt < 2, pr0, pr1)
      splat_lo = jnp.full((16,), 0, jnp.int32) + lax.rem(d_lo, 16)
      base = _PAD * (sr * 128 + 16 * j) + d_lo
      col = 16 * j
      for dr in range(8):
        cix = jnp.full((16,), 0, jnp.int32) + (base + dr)
        val = plsc.load_gather(stage_v.at[cur], [lane, cix])
        pv = jnp.take_along_axis(pr, splat_lo + dr, axis=0)
        out_v[sr, dt, dr, pl.ds(col, 16)] = val + pv

    pltpu.async_copy(out_v, out_hbm.at[pl.ds(8 * st, 8), :, w], semo)
    return carry

  lax.fori_loop(0, _ST, st_body, 0)

  pltpu.make_async_copy(
      out_v, out_hbm.at[pl.ds(8 * (_ST - 1), 8), :, w], semo).wait()
  pltpu.make_async_copy(
      xt_hbm.at[_ST - 1, w], idx_v.at[_ST % 2], semi).wait()
  fire_gathers(_ST % 2, wait=True)


@jax.jit
def _embed(xt, nucleo_emb, pos_emb):
  mesh = plsc.VectorSubcoreMesh(
      core_axis_name="c", subcore_axis_name="s", num_cores=_NC,
      num_subcores=_NS)
  return pl.kernel(
      _body,
      out_type=jax.ShapeDtypeStruct((_SEQ, _DT, _BT, 8, 128), jnp.float32),
      mesh=mesh,
      compiler_params=pltpu.CompilerParams(
          use_tc_tiling_on_sc=False, needs_layout_passes=False),
      scratch_types=[
          pltpu.VMEM((2, 8, 128), jnp.int32),
          pltpu.VMEM((2, 8 * 128, _PAD), jnp.float32),
          pltpu.VMEM((8, _DT, 8, 128), jnp.float32),
          pltpu.VMEM((_SEQ, _DIM), jnp.float32),
          pltpu.SemaphoreType.DMA,
          pltpu.SemaphoreType.DMA,
          pltpu.SemaphoreType.DMA,
      ],
  )(xt, nucleo_emb, pos_emb)


def kernel(X, nucleo_emb, pos_emb):
  xt = X.reshape(_BT, 128, _ST, 8).transpose(2, 0, 3, 1)
  tab = jnp.pad(nucleo_emb, ((0, 0), (0, _PAD - _DIM)))
  t = _embed(xt, tab, pos_emb)
  return t.transpose(2, 4, 0, 1, 3).reshape(_BATCH, _SEQ, _DIM)

# --- scband reference (transcript-rebuilt; emitter-appended) ---
"""Pipeline reference for scband-nucleo-pos-embedder-73194832658887 (READ-ONLY COPY).

The authoritative reference and input builder live on the scoring server;
editing this copy changes nothing except your own understanding.
"""

import jax, jax.numpy as jnp
import numpy as np

NUM_NUCLEOTIDES = 1000
SEQ_LENGTH = 200
EMBED_DIM = 32
BATCH = 4096

def setup_inputs(seed: int = 0) -> dict:
    key = jax.random.key(seed)
    k1, k2, k3 = jax.random.split(key, 3)
    X = jax.random.randint(k1, (BATCH, SEQ_LENGTH), 0, NUM_NUCLEOTIDES, dtype=jnp.int64 if jax.config.jax_enable_x64 else jnp.int32).astype(jnp.int32)
    nucleo_emb = jax.random.normal(k2, (NUM_NUCLEOTIDES, EMBED_DIM), dtype=jnp.float32)
    pos_emb = jax.random.normal(k3, (SEQ_LENGTH, EMBED_DIM), dtype=jnp.float32)
    return {"X": X, "nucleo_emb": nucleo_emb, "pos_emb": pos_emb}

def reference(X, nucleo_emb, pos_emb):
    # X_emb = self.nucleo_emb(X)
    X_emb = jnp.take(nucleo_emb, X, axis=0)  # (B, S, D)
    bsize, seqlen, featdim = X_emb.shape
    # pos_embed_concat_opt == 'sum'
    positions = jnp.arange(seqlen)
    positions_emb = jnp.take(pos_emb, positions, axis=0)[None, :, :]  # (1, S, D)
    positions_emb = jnp.broadcast_to(positions_emb, (bsize, seqlen, featdim))
    X_embpos = X_emb + positions_emb
    return X_embpos

if __name__ == "__main__":
    import jax
    _d = setup_inputs()
    print(jax.jit(kernel)(*tuple(_d.values())))

</pallas_src>

<mosaic_0001>
#map = affine_map<(d0, d1) -> (0, 0, 0, 0)>
#map1 = affine_map<(d0, d1) -> (0, 0)>
#map2 = affine_map<(d0, d1) -> (0, 0, 0, 0, 0)>
module attributes {stable_mosaic.version = 14 : i64} {
  func.func @_body(%arg0: i32, %arg1: i32, %arg2: memref<25x32x8x128xi32, #tpu.memory_space<hbm>>, %arg3: memref<1000x40xf32, #tpu.memory_space<hbm>>, %arg4: memref<200x32xf32, #tpu.memory_space<hbm>>, %arg5: memref<200x4x32x8x128xf32, #tpu.memory_space<hbm>>, %arg6: memref<2x8x128xi32, #tpu.memory_space<vmem>>, %arg7: memref<2x1024x40xf32, #tpu.memory_space<vmem>>, %arg8: memref<8x4x8x128xf32, #tpu.memory_space<vmem>>, %arg9: memref<200x32xf32, #tpu.memory_space<vmem>>, %arg10: memref<!tpu.dma_semaphore, #tpu.memory_space<semaphore_mem>>, %arg11: memref<!tpu.dma_semaphore, #tpu.memory_space<semaphore_mem>>, %arg12: memref<!tpu.dma_semaphore, #tpu.memory_space<semaphore_mem>>) attributes {dimension_semantics = [#tpu.dimension_semantics<core_parallel>, #tpu.dimension_semantics<subcore_parallel>], iteration_bounds = array<i64: 2, 16>, scalar_prefetch = 0 : i64, scratch_operands = 7 : i64, tpu.core_type = #tpu.core_type<sc_vector_subcore>, window_params = [{transform_indices = #map}, {transform_indices = #map1}, {transform_indices = #map1}, {transform_indices = #map2}]} {
    %mul3A = arith.constant 2 : i32
    %mul3A_0 = arith.muli %arg1, %mul3A : i32
    %add3A = arith.addi %mul3A_0, %arg0 : i32
    %iota3A = tpu.iota {dimensions = array<i32: 0>} : vector<16xi32>
    "tpu.region"() ({
      %run_scoped3A_261 = tpu.sem_alloc : memref<!tpu.dma_semaphore, #tpu.memory_space<semaphore_mem>>
      tpu.enqueue_dma source(%arg4 : memref<200x32xf32, #tpu.memory_space<hbm>>) target(%arg9 : memref<200x32xf32, #tpu.memory_space<vmem>>) target_semaphore(%run_scoped3A_261 : memref<!tpu.dma_semaphore, #tpu.memory_space<semaphore_mem>>)
      tpu.wait_dma2 semaphore(%run_scoped3A_261 : memref<!tpu.dma_semaphore, #tpu.memory_space<semaphore_mem>>) src(%arg4 : memref<200x32xf32, #tpu.memory_space<hbm>>) dst(%arg9 : memref<200x32xf32, #tpu.memory_space<vmem>>)
      tpu.yield
    }) : () -> ()
    %run_scoped3A = arith.constant 0 : i32
    %run_scoped3A_1 = arith.constant 0 : i32
    "tpu.region"() ({
      %run_scoped3A_261 = tpu.sem_alloc : memref<!tpu.dma_semaphore, #tpu.memory_space<semaphore_mem>>
      %dma_start3A_262 = arith.constant 0 : i32
      %dma_start3A_263 = arith.constant 0 : i32
      %dma_start3A_264 = tpu.memref_slice %arg6[%run_scoped3A_1, %dma_start3A_262, %dma_start3A_263] : memref<2x8x128xi32, #tpu.memory_space<vmem>> -> memref<1x8x128xi32, #tpu.memory_space<vmem>>
      %dma_start3A_265 = tpu.memref_squeeze %dma_start3A_264 : memref<1x8x128xi32, #tpu.memory_space<vmem>> -> memref<8x128xi32, #tpu.memory_space<vmem>>
      %dma_start3A_266 = arith.constant 0 : i32
      %dma_start3A_267 = arith.constant 0 : i32
      %dma_start3A_268 = tpu.memref_slice %arg2[%run_scoped3A, %add3A, %dma_start3A_266, %dma_start3A_267] : memref<25x32x8x128xi32, #tpu.memory_space<hbm>> -> memref<1x1x8x128xi32, #tpu.memory_space<hbm>>
      %dma_start3A_269 = tpu.memref_squeeze %dma_start3A_268 : memref<1x1x8x128xi32, #tpu.memory_space<hbm>> -> memref<8x128xi32, #tpu.memory_space<hbm>>
      %dma_start3A_270 = arith.constant 0 : i32
      %dma_start3A_271 = arith.constant 0 : i32
      %dma_start3A_272 = tpu.memref_slice %arg6[%run_scoped3A_1, %dma_start3A_270, %dma_start3A_271] : memref<2x8x128xi32, #tpu.memory_space<vmem>> -> memref<1x8x128xi32, #tpu.memory_space<vmem>>
      %dma_start3A_273 = tpu.memref_squeeze %dma_start3A_272 : memref<1x8x128xi32, #tpu.memory_space<vmem>> -> memref<8x128xi32, #tpu.memory_space<vmem>>
      %dma_start3A_274 = arith.constant 0 : i32
      %dma_start3A_275 = arith.constant 0 : i32
      %dma_start3A_276 = tpu.memref_slice %arg2[%run_scoped3A, %add3A, %dma_start3A_274, %dma_start3A_275] : memref<25x32x8x128xi32, #tpu.memory_space<hbm>> -> memref<1x1x8x128xi32, #tpu.memory_space<hbm>>
      %dma_start3A_277 = tpu.memref_squeeze %dma_start3A_276 : memref<1x1x8x128xi32, #tpu.memory_space<hbm>> -> memref<8x128xi32, #tpu.memory_space<hbm>>
      tpu.enqueue_dma source(%dma_start3A_277 : memref<8x128xi32, #tpu.memory_space<hbm>>) target(%dma_start3A_273 : memref<8x128xi32, #tpu.memory_space<vmem>>) target_semaphore(%run_scoped3A_261 : memref<!tpu.dma_semaphore, #tpu.memory_space<semaphore_mem>>)
      %dma_wait3A_278 = arith.constant 0 : i32
      %dma_wait3A_279 = arith.constant 0 : i32
      %dma_wait3A_280 = tpu.memref_slice %arg6[%run_scoped3A_1, %dma_wait3A_278, %dma_wait3A_279] : memref<2x8x128xi32, #tpu.memory_space<vmem>> -> memref<1x8x128xi32, #tpu.memory_space<vmem>>
      %dma_wait3A_281 = tpu.memref_squeeze %dma_wait3A_280 : memref<1x8x128xi32, #tpu.memory_space<vmem>> -> memref<8x128xi32, #tpu.memory_space<vmem>>
      %dma_wait3A_282 = arith.constant 0 : i32
      %dma_wait3A_283 = arith.constant 0 : i32
      %dma_wait3A_284 = tpu.memref_slice %arg2[%run_scoped3A, %add3A, %dma_wait3A_282, %dma_wait3A_283] : memref<25x32x8x128xi32, #tpu.memory_space<hbm>> -> memref<1x1x8x128xi32, #tpu.memory_space<hbm>>
      %dma_wait3A_285 = tpu.memref_squeeze %dma_wait3A_284 : memref<1x1x8x128xi32, #tpu.memory_space<hbm>> -> memref<8x128xi32, #tpu.memory_space<hbm>>
      %dma_wait3A_286 = arith.constant 0 : i32
      %dma_wait3A_287 = arith.constant 0 : i32
      %dma_wait3A_288 = tpu.memref_slice %arg6[%run_scoped3A_1, %dma_wait3A_286, %dma_wait3A_287] : memref<2x8x128xi32, #tpu.memory_space<vmem>> -> memref<1x8x128xi32, #tpu.memory_space<vmem>>
      %dma_wait3A_289 = tpu.memref_squeeze %dma_wait3A_288 : memref<1x8x128xi32, #tpu.memory_space<vmem>> -> memref<8x128xi32, #tpu.memory_space<vmem>>
      %dma_wait3A_290 = arith.constant 0 : i32
      %dma_wait3A_291 = arith.constant 0 : i32
      %dma_wait3A_292 = tpu.memref_slice %arg2[%run_scoped3A, %add3A, %dma_wait3A_290, %dma_wait3A_291] : memref<25x32x8x128xi32, #tpu.memory_space<hbm>> -> memref<1x1x8x128xi32, #tpu.memory_space<hbm>>
      %dma_wait3A_293 = tpu.memref_squeeze %dma_wait3A_292 : memref<1x1x8x128xi32, #tpu.memory_space<hbm>> -> memref<8x128xi32, #tpu.memory_space<hbm>>
      tpu.wait_dma2 semaphore(%run_scoped3A_261 : memref<!tpu.dma_semaphore, #tpu.memory_space<semaphore_mem>>) src(%dma_wait3A_293 : memref<8x128xi32, #tpu.memory_space<hbm>>) dst(%dma_wait3A_289 : memref<8x128xi32, #tpu.memory_space<vmem>>)
      tpu.yield
    }) : () -> ()
    %dma_start3A = arith.constant 0 : i32
    %dma_start3A_2 = arith.constant 0 : i32
    %dma_start3A_3 = arith.constant 0 : i32
    %dma_start3A_4 = arith.constant 0 : i32
    %dma_start3A_5 = arith.constant 0 : i32
    %dma_start3A_6 = tpu.memref_slice %arg7[%dma_start3A_3, %dma_start3A_4, %dma_start3A_5] : memref<2x1024x40xf32, #tpu.memory_space<vmem>> -> memref<1x128x40xf32, #tpu.memory_space<vmem>>
    %dma_start3A_7 = tpu.memref_squeeze %dma_start3A_6 : memref<1x128x40xf32, #tpu.memory_space<vmem>> -> memref<128x40xf32, #tpu.memory_space<vmem>>
    %dma_start3A_8 = arith.constant 0 : i32
    %dma_start3A_9 = tpu.memref_slice %arg6[%dma_start3A, %dma_start3A_2, %dma_start3A_8] : memref<2x8x128xi32, #tpu.memory_space<vmem>> -> memref<1x1x128xi32, #tpu.memory_space<vmem>>
    %dma_start3A_10 = tpu.memref_squeeze %dma_start3A_9 : memref<1x1x128xi32, #tpu.memory_space<vmem>> -> memref<128xi32, #tpu.memory_space<vmem>>
    %dma_start3A_11 = arith.constant 0 : i32
    %dma_start3A_12 = arith.constant 0 : i32
    %dma_start3A_13 = tpu.memref_slice %arg3[%dma_start3A_11, %dma_start3A_12] : memref<1000x40xf32, #tpu.memory_space<hbm>> -> memref<1000x40xf32, #tpu.memory_space<hbm>>
    tpu.enqueue_indirect_dma source(%dma_start3A_13 : memref<1000x40xf32, #tpu.memory_space<hbm>>) target(%dma_start3A_7 : memref<128x40xf32, #tpu.memory_space<vmem>>) offsets(%dma_start3A_10 : memref<128xi32, #tpu.memory_space<vmem>>) semaphore(%arg11 : memref<!tpu.dma_semaphore, #tpu.memory_space<semaphore_mem>>)
    %dma_start3A_14 = arith.constant 0 : i32
    %dma_start3A_15 = arith.constant 1 : i32
    %dma_start3A_16 = arith.constant 0 : i32
    %dma_start3A_17 = arith.constant 128 : i32
    %dma_start3A_18 = arith.constant 0 : i32
    %dma_start3A_19 = tpu.memref_slice %arg7[%dma_start3A_16, %dma_start3A_17, %dma_start3A_18] : memref<2x1024x40xf32, #tpu.memory_space<vmem>> -> memref<1x128x40xf32, #tpu.memory_space<vmem>>
    %dma_start3A_20 = tpu.memref_squeeze %dma_start3A_19 : memref<1x128x40xf32, #tpu.memory_space<vmem>> -> memref<128x40xf32, #tpu.memory_space<vmem>>
    %dma_start3A_21 = arith.constant 0 : i32
    %dma_start3A_22 = tpu.memref_slice %arg6[%dma_start3A_14, %dma_start3A_15, %dma_start3A_21] : memref<2x8x128xi32, #tpu.memory_space<vmem>> -> memref<1x1x128xi32, #tpu.memory_space<vmem>>
    %dma_start3A_23 = tpu.memref_squeeze %dma_start3A_22 : memref<1x1x128xi32, #tpu.memory_space<vmem>> -> memref<128xi32, #tpu.memory_space<vmem>>
    %dma_start3A_24 = arith.constant 0 : i32
    %dma_start3A_25 = arith.constant 0 : i32
    %dma_start3A_26 = tpu.memref_slice %arg3[%dma_start3A_24, %dma_start3A_25] : memref<1000x40xf32, #tpu.memory_space<hbm>> -> memref<1000x40xf32, #tpu.memory_space<hbm>>
    tpu.enqueue_indirect_dma source(%dma_start3A_26 : memref<1000x40xf32, #tpu.memory_space<hbm>>) target(%dma_start3A_20 : memref<128x40xf32, #tpu.memory_space<vmem>>) offsets(%dma_start3A_23 : memref<128xi32, #tpu.memory_space<vmem>>) semaphore(%arg11 : memref<!tpu.dma_semaphore, #tpu.memory_space<semaphore_mem>>)
    %dma_start3A_27 = arith.constant 0 : i32
    %dma_start3A_28 = arith.constant 2 : i32
    %dma_start3A_29 = arith.constant 0 : i32
    %dma_start3A_30 = arith.constant 256 : i32
    %dma_start3A_31 = arith.constant 0 : i32
    %dma_start3A_32 = tpu.memref_slice %arg7[%dma_start3A_29, %dma_start3A_30, %dma_start3A_31] : memref<2x1024x40xf32, #tpu.memory_space<vmem>> -> memref<1x128x40xf32, #tpu.memory_space<vmem>>
    %dma_start3A_33 = tpu.memref_squeeze %dma_start3A_32 : memref<1x128x40xf32, #tpu.memory_space<vmem>> -> memref<128x40xf32, #tpu.memory_space<vmem>>
    %dma_start3A_34 = arith.constant 0 : i32
    %dma_start3A_35 = tpu.memref_slice %arg6[%dma_start3A_27, %dma_start3A_28, %dma_start3A_34] : memref<2x8x128xi32, #tpu.memory_space<vmem>> -> memref<1x1x128xi32, #tpu.memory_space<vmem>>
    %dma_start3A_36 = tpu.memref_squeeze %dma_start3A_35 : memref<1x1x128xi32, #tpu.memory_space<vmem>> -> memref<128xi32, #tpu.memory_space<vmem>>
    %dma_start3A_37 = arith.constant 0 : i32
    %dma_start3A_38 = arith.constant 0 : i32
    %dma_start3A_39 = tpu.memref_slice %arg3[%dma_start3A_37, %dma_start3A_38] : memref<1000x40xf32, #tpu.memory_space<hbm>> -> memref<1000x40xf32, #tpu.memory_space<hbm>>
    tpu.enqueue_indirect_dma source(%dma_start3A_39 : memref<1000x40xf32, #tpu.memory_space<hbm>>) target(%dma_start3A_33 : memref<128x40xf32, #tpu.memory_space<vmem>>) offsets(%dma_start3A_36 : memref<128xi32, #tpu.memory_space<vmem>>) semaphore(%arg11 : memref<!tpu.dma_semaphore, #tpu.memory_space<semaphore_mem>>)
    %dma_start3A_40 = arith.constant 0 : i32
    %dma_start3A_41 = arith.constant 3 : i32
    %dma_start3A_42 = arith.constant 0 : i32
    %dma_start3A_43 = arith.constant 384 : i32
    %dma_start3A_44 = arith.constant 0 : i32
    %dma_start3A_45 = tpu.memref_slice %arg7[%dma_start3A_42, %dma_start3A_43, %dma_start3A_44] : memref<2x1024x40xf32, #tpu.memory_space<vmem>> -> memref<1x128x40xf32, #tpu.memory_space<vmem>>
    %dma_start3A_46 = tpu.memref_squeeze %dma_start3A_45 : memref<1x128x40xf32, #tpu.memory_space<vmem>> -> memref<128x40xf32, #tpu.memory_space<vmem>>
    %dma_start3A_47 = arith.constant 0 : i32
    %dma_start3A_48 = tpu.memref_slice %arg6[%dma_start3A_40, %dma_start3A_41, %dma_start3A_47] : memref<2x8x128xi32, #tpu.memory_space<vmem>> -> memref<1x1x128xi32, #tpu.memory_space<vmem>>
    %dma_start3A_49 = tpu.memref_squeeze %dma_start3A_48 : memref<1x1x128xi32, #tpu.memory_space<vmem>> -> memref<128xi32, #tpu.memory_space<vmem>>
    %dma_start3A_50 = arith.constant 0 : i32
    %dma_start3A_51 = arith.constant 0 : i32
    %dma_start3A_52 = tpu.memref_slice %arg3[%dma_start3A_50, %dma_start3A_51] : memref<1000x40xf32, #tpu.memory_space<hbm>> -> memref<1000x40xf32, #tpu.memory_space<hbm>>
    tpu.enqueue_indirect_dma source(%dma_start3A_52 : memref<1000x40xf32, #tpu.memory_space<hbm>>) target(%dma_start3A_46 : memref<128x40xf32, #tpu.memory_space<vmem>>) offsets(%dma_start3A_49 : memref<128xi32, #tpu.memory_space<vmem>>) semaphore(%arg11 : memref<!tpu.dma_semaphore, #tpu.memory_space<semaphore_mem>>)
    %dma_start3A_53 = arith.constant 0 : i32
    %dma_start3A_54 = arith.constant 4 : i32
    %dma_start3A_55 = arith.constant 0 : i32
    %dma_start3A_56 = arith.constant 512 : i32
    %dma_start3A_57 = arith.constant 0 : i32
    %dma_start3A_58 = tpu.memref_slice %arg7[%dma_start3A_55, %dma_start3A_56, %dma_start3A_57] : memref<2x1024x40xf32, #tpu.memory_space<vmem>> -> memref<1x128x40xf32, #tpu.memory_space<vmem>>
    %dma_start3A_59 = tpu.memref_squeeze %dma_start3A_58 : memref<1x128x40xf32, #tpu.memory_space<vmem>> -> memref<128x40xf32, #tpu.memory_space<vmem>>
    %dma_start3A_60 = arith.constant 0 : i32
    %dma_start3A_61 = tpu.memref_slice %arg6[%dma_start3A_53, %dma_start3A_54, %dma_start3A_60] : memref<2x8x128xi32, #tpu.memory_space<vmem>> -> memref<1x1x128xi32, #tpu.memory_space<vmem>>
    %dma_start3A_62 = tpu.memref_squeeze %dma_start3A_61 : memref<1x1x128xi32, #tpu.memory_space<vmem>> -> memref<128xi32, #tpu.memory_space<vmem>>
    %dma_start3A_63 = arith.constant 0 : i32
    %dma_start3A_64 = arith.constant 0 : i32
    %dma_start3A_65 = tpu.memref_slice %arg3[%dma_start3A_63, %dma_start3A_64] : memref<1000x40xf32, #tpu.memory_space<hbm>> -> memref<1000x40xf32, #tpu.memory_space<hbm>>
    tpu.enqueue_indirect_dma source(%dma_start3A_65 : memref<1000x40xf32, #tpu.memory_space<hbm>>) target(%dma_start3A_59 : memref<128x40xf32, #tpu.memory_space<vmem>>) offsets(%dma_start3A_62 : memref<128xi32, #tpu.memory_space<vmem>>) semaphore(%arg11 : memref<!tpu.dma_semaphore, #tpu.memory_space<semaphore_mem>>)
    %dma_start3A_66 = arith.constant 0 : i32
    %dma_start3A_67 = arith.constant 5 : i32
    %dma_start3A_68 = arith.constant 0 : i32
    %dma_start3A_69 = arith.constant 640 : i32
    %dma_start3A_70 = arith.constant 0 : i32
    %dma_start3A_71 = tpu.memref_slice %arg7[%dma_start3A_68, %dma_start3A_69, %dma_start3A_70] : memref<2x1024x40xf32, #tpu.memory_space<vmem>> -> memref<1x128x40xf32, #tpu.memory_space<vmem>>
    %dma_start3A_72 = tpu.memref_squeeze %dma_start3A_71 : memref<1x128x40xf32, #tpu.memory_space<vmem>> -> memref<128x40xf32, #tpu.memory_space<vmem>>
    %dma_start3A_73 = arith.constant 0 : i32
    %dma_start3A_74 = tpu.memref_slice %arg6[%dma_start3A_66, %dma_start3A_67, %dma_start3A_73] : memref<2x8x128xi32, #tpu.memory_space<vmem>> -> memref<1x1x128xi32, #tpu.memory_space<vmem>>
    %dma_start3A_75 = tpu.memref_squeeze %dma_start3A_74 : memref<1x1x128xi32, #tpu.memory_space<vmem>> -> memref<128xi32, #tpu.memory_space<vmem>>
    %dma_start3A_76 = arith.constant 0 : i32
    %dma_start3A_77 = arith.constant 0 : i32
    %dma_start3A_78 = tpu.memref_slice %arg3[%dma_start3A_76, %dma_start3A_77] : memref<1000x40xf32, #tpu.memory_space<hbm>> -> memref<1000x40xf32, #tpu.memory_space<hbm>>
    tpu.enqueue_indirect_dma source(%dma_start3A_78 : memref<1000x40xf32, #tpu.memory_space<hbm>>) target(%dma_start3A_72 : memref<128x40xf32, #tpu.memory_space<vmem>>) offsets(%dma_start3A_75 : memref<128xi32, #tpu.memory_space<vmem>>) semaphore(%arg11 : memref<!tpu.dma_semaphore, #tpu.memory_space<semaphore_mem>>)
    %dma_start3A_79 = arith.constant 0 : i32
    %dma_start3A_80 = arith.constant 6 : i32
    %dma_start3A_81 = arith.constant 0 : i32
    %dma_start3A_82 = arith.constant 768 : i32
    %dma_start3A_83 = arith.constant 0 : i32
    %dma_start3A_84 = tpu.memref_slice %arg7[%dma_start3A_81, %dma_start3A_82, %dma_start3A_83] : memref<2x1024x40xf32, #tpu.memory_space<vmem>> -> memref<1x128x40xf32, #tpu.memory_space<vmem>>
    %dma_start3A_85 = tpu.memref_squeeze %dma_start3A_84 : memref<1x128x40xf32, #tpu.memory_space<vmem>> -> memref<128x40xf32, #tpu.memory_space<vmem>>
    %dma_start3A_86 = arith.constant 0 : i32
    %dma_start3A_87 = tpu.memref_slice %arg6[%dma_start3A_79, %dma_start3A_80, %dma_start3A_86] : memref<2x8x128xi32, #tpu.memory_space<vmem>> -> memref<1x1x128xi32, #tpu.memory_space<vmem>>
    %dma_start3A_88 = tpu.memref_squeeze %dma_start3A_87 : memref<1x1x128xi32, #tpu.memory_space<vmem>> -> memref<128xi32, #tpu.memory_space<vmem>>
    %dma_start3A_89 = arith.constant 0 : i32
    %dma_start3A_90 = arith.constant 0 : i32
    %dma_start3A_91 = tpu.memref_slice %arg3[%dma_start3A_89, %dma_start3A_90] : memref<1000x40xf32, #tpu.memory_space<hbm>> -> memref<1000x40xf32, #tpu.memory_space<hbm>>
    tpu.enqueue_indirect_dma source(%dma_start3A_91 : memref<1000x40xf32, #tpu.memory_space<hbm>>) target(%dma_start3A_85 : memref<128x40xf32, #tpu.memory_space<vmem>>) offsets(%dma_start3A_88 : memref<128xi32, #tpu.memory_space<vmem>>) semaphore(%arg11 : memref<!tpu.dma_semaphore, #tpu.memory_space<semaphore_mem>>)
    %dma_start3A_92 = arith.constant 0 : i32
    %dma_start3A_93 = arith.constant 7 : i32
    %dma_start3A_94 = arith.constant 0 : i32
    %dma_start3A_95 = arith.constant 896 : i32
    %dma_start3A_96 = arith.constant 0 : i32
    %dma_start3A_97 = tpu.memref_slice %arg7[%dma_start3A_94, %dma_start3A_95, %dma_start3A_96] : memref<2x1024x40xf32, #tpu.memory_space<vmem>> -> memref<1x128x40xf32, #tpu.memory_space<vmem>>
    %dma_start3A_98 = tpu.memref_squeeze %dma_start3A_97 : memref<1x128x40xf32, #tpu.memory_space<vmem>> -> memref<128x40xf32, #tpu.memory_space<vmem>>
    %dma_start3A_99 = arith.constant 0 : i32
    %dma_start3A_100 = tpu.memref_slice %arg6[%dma_start3A_92, %dma_start3A_93, %dma_start3A_99] : memref<2x8x128xi32, #tpu.memory_space<vmem>> -> memref<1x1x128xi32, #tpu.memory_space<vmem>>
    %dma_start3A_101 = tpu.memref_squeeze %dma_start3A_100 : memref<1x1x128xi32, #tpu.memory_space<vmem>> -> memref<128xi32, #tpu.memory_space<vmem>>
    %dma_start3A_102 = arith.constant 0 : i32
    %dma_start3A_103 = arith.constant 0 : i32
    %dma_start3A_104 = tpu.memref_slice %arg3[%dma_start3A_102, %dma_start3A_103] : memref<1000x40xf32, #tpu.memory_space<hbm>> -> memref<1000x40xf32, #tpu.memory_space<hbm>>
    tpu.enqueue_indirect_dma source(%dma_start3A_104 : memref<1000x40xf32, #tpu.memory_space<hbm>>) target(%dma_start3A_98 : memref<128x40xf32, #tpu.memory_space<vmem>>) offsets(%dma_start3A_101 : memref<128xi32, #tpu.memory_space<vmem>>) semaphore(%arg11 : memref<!tpu.dma_semaphore, #tpu.memory_space<semaphore_mem>>)
    %dma_start3A_105 = arith.constant 1 : i32
    %dma_start3A_106 = arith.constant 1 : i32
    %dma_start3A_107 = arith.constant 0 : i32
    %dma_start3A_108 = arith.constant 0 : i32
    %dma_start3A_109 = tpu.memref_slice %arg6[%dma_start3A_106, %dma_start3A_107, %dma_start3A_108] : memref<2x8x128xi32, #tpu.memory_space<vmem>> -> memref<1x8x128xi32, #tpu.memory_space<vmem>>
    %dma_start3A_110 = tpu.memref_squeeze %dma_start3A_109 : memref<1x8x128xi32, #tpu.memory_space<vmem>> -> memref<8x128xi32, #tpu.memory_space<vmem>>
    %dma_start3A_111 = arith.constant 0 : i32
    %dma_start3A_112 = arith.constant 0 : i32
    %dma_start3A_113 = tpu.memref_slice %arg2[%dma_start3A_105, %add3A, %dma_start3A_111, %dma_start3A_112] : memref<25x32x8x128xi32, #tpu.memory_space<hbm>> -> memref<1x1x8x128xi32, #tpu.memory_space<hbm>>
    %dma_start3A_114 = tpu.memref_squeeze %dma_start3A_113 : memref<1x1x8x128xi32, #tpu.memory_space<hbm>> -> memref<8x128xi32, #tpu.memory_space<hbm>>
    %dma_start3A_115 = arith.constant 0 : i32
    %dma_start3A_116 = arith.constant 0 : i32
    %dma_start3A_117 = tpu.memref_slice %arg6[%dma_start3A_106, %dma_start3A_115, %dma_start3A_116] : memref<2x8x128xi32, #tpu.memory_space<vmem>> -> memref<1x8x128xi32, #tpu.memory_space<vmem>>
    %dma_start3A_118 = tpu.memref_squeeze %dma_start3A_117 : memref<1x8x128xi32, #tpu.memory_space<vmem>> -> memref<8x128xi32, #tpu.memory_space<vmem>>
    %dma_start3A_119 = arith.constant 0 : i32
    %dma_start3A_120 = arith.constant 0 : i32
    %dma_start3A_121 = tpu.memref_slice %arg2[%dma_start3A_105, %add3A, %dma_start3A_119, %dma_start3A_120] : memref<25x32x8x128xi32, #tpu.memory_space<hbm>> -> memref<1x1x8x128xi32, #tpu.memory_space<hbm>>
    %dma_start3A_122 = tpu.memref_squeeze %dma_start3A_121 : memref<1x1x8x128xi32, #tpu.memory_space<hbm>> -> memref<8x128xi32, #tpu.memory_space<hbm>>
    tpu.enqueue_dma source(%dma_start3A_122 : memref<8x128xi32, #tpu.memory_space<hbm>>) target(%dma_start3A_118 : memref<8x128xi32, #tpu.memory_space<vmem>>) target_semaphore(%arg10 : memref<!tpu.dma_semaphore, #tpu.memory_space<semaphore_mem>>)
    %scan3A = arith.constant 0 : i32
    %scan3A_123 = arith.constant 0 : i32
    %scan3A_124 = arith.constant 25 : i32
    %scan3A_125 = arith.addi %scan3A_123, %scan3A_124 : i32
    %scan3A_126 = arith.constant 1 : i32
    scf.for %scan3A_261 = %scan3A_123 to %scan3A_125 step %scan3A_126  : i32 {
      %rem3A = arith.constant 2 : i32
      %rem3A_262 = arith.remsi %scan3A_261, %rem3A : i32
      %sub3A = arith.constant 1 : i32
      %sub3A_263 = arith.subi %sub3A, %rem3A_262 : i32
      %add3A_264 = arith.constant 1 : i32
      %add3A_265 = arith.addi %scan3A_261, %add3A_264 : i32
      %min3A = arith.constant 24 : i32
      %min3A_266 = arith.minsi %add3A_265, %min3A : i32
      %add3A_267 = arith.constant 2 : i32
      %add3A_268 = arith.addi %scan3A_261, %add3A_267 : i32
      %min3A_269 = arith.constant 24 : i32
      %min3A_270 = arith.minsi %add3A_268, %min3A_269 : i32
      %dma_wait3A_271 = arith.constant 0 : i32
      %dma_wait3A_272 = arith.constant 0 : i32
      %dma_wait3A_273 = arith.constant 0 : i32
      %dma_wait3A_274 = tpu.memref_slice %arg7[%rem3A_262, %dma_wait3A_272, %dma_wait3A_273] : memref<2x1024x40xf32, #tpu.memory_space<vmem>> -> memref<1x128x40xf32, #tpu.memory_space<vmem>>
      %dma_wait3A_275 = tpu.memref_squeeze %dma_wait3A_274 : memref<1x128x40xf32, #tpu.memory_space<vmem>> -> memref<128x40xf32, #tpu.memory_space<vmem>>
      %dma_wait3A_276 = arith.constant 0 : i32
      %dma_wait3A_277 = tpu.memref_slice %arg6[%rem3A_262, %dma_wait3A_271, %dma_wait3A_276] : memref<2x8x128xi32, #tpu.memory_space<vmem>> -> memref<1x1x128xi32, #tpu.memory_space<vmem>>
      %dma_wait3A_278 = tpu.memref_squeeze %dma_wait3A_277 : memref<1x1x128xi32, #tpu.memory_space<vmem>> -> memref<128xi32, #tpu.memory_space<vmem>>
      %dma_wait3A_279 = arith.constant 0 : i32
      %dma_wait3A_280 = arith.constant 0 : i32
      %dma_wait3A_281 = tpu.memref_slice %arg3[%dma_wait3A_279, %dma_wait3A_280] : memref<1000x40xf32, #tpu.memory_space<hbm>> -> memref<1000x40xf32, #tpu.memory_space<hbm>>
      tpu.wait_indirect_dma semaphore(%arg11 : memref<!tpu.dma_semaphore, #tpu.memory_space<semaphore_mem>>) src(%dma_wait3A_281 : memref<1000x40xf32, #tpu.memory_space<hbm>>) dst(%dma_wait3A_275 : memref<128x40xf32, #tpu.memory_space<vmem>>)
      %dma_wait3A_282 = arith.constant 1 : i32
      %dma_wait3A_283 = arith.constant 128 : i32
      %dma_wait3A_284 = arith.constant 0 : i32
      %dma_wait3A_285 = tpu.memref_slice %arg7[%rem3A_262, %dma_wait3A_283, %dma_wait3A_284] : memref<2x1024x40xf32, #tpu.memory_space<vmem>> -> memref<1x128x40xf32, #tpu.memory_space<vmem>>
      %dma_wait3A_286 = tpu.memref_squeeze %dma_wait3A_285 : memref<1x128x40xf32, #tpu.memory_space<vmem>> -> memref<128x40xf32, #tpu.memory_space<vmem>>
      %dma_wait3A_287 = arith.constant 0 : i32
      %dma_wait3A_288 = tpu.memref_slice %arg6[%rem3A_262, %dma_wait3A_282, %dma_wait3A_287] : memref<2x8x128xi32, #tpu.memory_space<vmem>> -> memref<1x1x128xi32, #tpu.memory_space<vmem>>
      %dma_wait3A_289 = tpu.memref_squeeze %dma_wait3A_288 : memref<1x1x128xi32, #tpu.memory_space<vmem>> -> memref<128xi32, #tpu.memory_space<vmem>>
      %dma_wait3A_290 = arith.constant 0 : i32
      %dma_wait3A_291 = arith.constant 0 : i32
      %dma_wait3A_292 = tpu.memref_slice %arg3[%dma_wait3A_290, %dma_wait3A_291] : memref<1000x40xf32, #tpu.memory_space<hbm>> -> memref<1000x40xf32, #tpu.memory_space<hbm>>
      tpu.wait_indirect_dma semaphore(%arg11 : memref<!tpu.dma_semaphore, #tpu.memory_space<semaphore_mem>>) src(%dma_wait3A_292 : memref<1000x40xf32, #tpu.memory_space<hbm>>) dst(%dma_wait3A_286 : memref<128x40xf32, #tpu.memory_space<vmem>>)
      %dma_wait3A_293 = arith.constant 2 : i32
      %dma_wait3A_294 = arith.constant 256 : i32
      %dma_wait3A_295 = arith.constant 0 : i32
      %dma_wait3A_296 = tpu.memref_slice %arg7[%rem3A_262, %dma_wait3A_294, %dma_wait3A_295] : memref<2x1024x40xf32, #tpu.memory_space<vmem>> -> memref<1x128x40xf32, #tpu.memory_space<vmem>>
      %dma_wait3A_297 = tpu.memref_squeeze %dma_wait3A_296 : memref<1x128x40xf32, #tpu.memory_space<vmem>> -> memref<128x40xf32, #tpu.memory_space<vmem>>
      %dma_wait3A_298 = arith.constant 0 : i32
      %dma_wait3A_299 = tpu.memref_slice %arg6[%rem3A_262, %dma_wait3A_293, %dma_wait3A_298] : memref<2x8x128xi32, #tpu.memory_space<vmem>> -> memref<1x1x128xi32, #tpu.memory_space<vmem>>
      %dma_wait3A_300 = tpu.memref_squeeze %dma_wait3A_299 : memref<1x1x128xi32, #tpu.memory_space<vmem>> -> memref<128xi32, #tpu.memory_space<vmem>>
      %dma_wait3A_301 = arith.constant 0 : i32
      %dma_wait3A_302 = arith.constant 0 : i32
      %dma_wait3A_303 = tpu.memref_slice %arg3[%dma_wait3A_301, %dma_wait3A_302] : memref<1000x40xf32, #tpu.memory_space<hbm>> -> memref<1000x40xf32, #tpu.memory_space<hbm>>
      tpu.wait_indirect_dma semaphore(%arg11 : memref<!tpu.dma_semaphore, #tpu.memory_space<semaphore_mem>>) src(%dma_wait3A_303 : memref<1000x40xf32, #tpu.memory_space<hbm>>) dst(%dma_wait3A_297 : memref<128x40xf32, #tpu.memory_space<vmem>>)
      %dma_wait3A_304 = arith.constant 3 : i32
      %dma_wait3A_305 = arith.constant 384 : i32
      %dma_wait3A_306 = arith.constant 0 : i32
      %dma_wait3A_307 = tpu.memref_slice %arg7[%rem3A_262, %dma_wait3A_305, %dma_wait3A_306] : memref<2x1024x40xf32, #tpu.memory_space<vmem>> -> memref<1x128x40xf32, #tpu.memory_space<vmem>>
      %dma_wait3A_308 = tpu.memref_squeeze %dma_wait3A_307 : memref<1x128x40xf32, #tpu.memory_space<vmem>> -> memref<128x40xf32, #tpu.memory_space<vmem>>
      %dma_wait3A_309 = arith.constant 0 : i32
      %dma_wait3A_310 = tpu.memref_slice %arg6[%rem3A_262, %dma_wait3A_304, %dma_wait3A_309] : memref<2x8x128xi32, #tpu.memory_space<vmem>> -> memref<1x1x128xi32, #tpu.memory_space<vmem>>
      %dma_wait3A_311 = tpu.memref_squeeze %dma_wait3A_310 : memref<1x1x128xi32, #tpu.memory_space<vmem>> -> memref<128xi32, #tpu.memory_space<vmem>>
      %dma_wait3A_312 = arith.constant 0 : i32
      %dma_wait3A_313 = arith.constant 0 : i32
      %dma_wait3A_314 = tpu.memref_slice %arg3[%dma_wait3A_312, %dma_wait3A_313] : memref<1000x40xf32, #tpu.memory_space<hbm>> -> memref<1000x40xf32, #tpu.memory_space<hbm>>
      tpu.wait_indirect_dma semaphore(%arg11 : memref<!tpu.dma_semaphore, #tpu.memory_space<semaphore_mem>>) src(%dma_wait3A_314 : memref<1000x40xf32, #tpu.memory_space<hbm>>) dst(%dma_wait3A_308 : memref<128x40xf32, #tpu.memory_space<vmem>>)
      %dma_wait3A_315 = arith.constant 4 : i32
      %dma_wait3A_316 = arith.constant 512 : i32
      %dma_wait3A_317 = arith.constant 0 : i32
      %dma_wait3A_318 = tpu.memref_slice %arg7[%rem3A_262, %dma_wait3A_316, %dma_wait3A_317] : memref<2x1024x40xf32, #tpu.memory_space<vmem>> -> memref<1x128x40xf32, #tpu.memory_space<vmem>>
      %dma_wait3A_319 = tpu.memref_squeeze %dma_wait3A_318 : memref<1x128x40xf32, #tpu.memory_space<vmem>> -> memref<128x40xf32, #tpu.memory_space<vmem>>
      %dma_wait3A_320 = arith.constant 0 : i32
      %dma_wait3A_321 = tpu.memref_slice %arg6[%rem3A_262, %dma_wait3A_315, %dma_wait3A_320] : memref<2x8x128xi32, #tpu.memory_space<vmem>> -> memref<1x1x128xi32, #tpu.memory_space<vmem>>
      %dma_wait3A_322 = tpu.memref_squeeze %dma_wait3A_321 : memref<1x1x128xi32, #tpu.memory_space<vmem>> -> memref<128xi32, #tpu.memory_space<vmem>>
      %dma_wait3A_323 = arith.constant 0 : i32
      %dma_wait3A_324 = arith.constant 0 : i32
      %dma_wait3A_325 = tpu.memref_slice %arg3[%dma_wait3A_323, %dma_wait3A_324] : memref<1000x40xf32, #tpu.memory_space<hbm>> -> memref<1000x40xf32, #tpu.memory_space<hbm>>
      tpu.wait_indirect_dma semaphore(%arg11 : memref<!tpu.dma_semaphore, #tpu.memory_space<semaphore_mem>>) src(%dma_wait3A_325 : memref<1000x40xf32, #tpu.memory_space<hbm>>) dst(%dma_wait3A_319 : memref<128x40xf32, #tpu.memory_space<vmem>>)
      %dma_wait3A_326 = arith.constant 5 : i32
      %dma_wait3A_327 = arith.constant 640 : i32
      %dma_wait3A_328 = arith.constant 0 : i32
      %dma_wait3A_329 = tpu.memref_slice %arg7[%rem3A_262, %dma_wait3A_327, %dma_wait3A_328] : memref<2x1024x40xf32, #tpu.memory_space<vmem>> -> memref<1x128x40xf32, #tpu.memory_space<vmem>>
      %dma_wait3A_330 = tpu.memref_squeeze %dma_wait3A_329 : memref<1x128x40xf32, #tpu.memory_space<vmem>> -> memref<128x40xf32, #tpu.memory_space<vmem>>
      %dma_wait3A_331 = arith.constant 0 : i32
      %dma_wait3A_332 = tpu.memref_slice %arg6[%rem3A_262, %dma_wait3A_326, %dma_wait3A_331] : memref<2x8x128xi32, #tpu.memory_space<vmem>> -> memref<1x1x128xi32, #tpu.memory_space<vmem>>
      %dma_wait3A_333 = tpu.memref_squeeze %dma_wait3A_332 : memref<1x1x128xi32, #tpu.memory_space<vmem>> -> memref<128xi32, #tpu.memory_space<vmem>>
      %dma_wait3A_334 = arith.constant 0 : i32
      %dma_wait3A_335 = arith.constant 0 : i32
      %dma_wait3A_336 = tpu.memref_slice %arg3[%dma_wait3A_334, %dma_wait3A_335] : memref<1000x40xf32, #tpu.memory_space<hbm>> -> memref<1000x40xf32, #tpu.memory_space<hbm>>
      tpu.wait_indirect_dma semaphore(%arg11 : memref<!tpu.dma_semaphore, #tpu.memory_space<semaphore_mem>>) src(%dma_wait3A_336 : memref<1000x40xf32, #tpu.memory_space<hbm>>) dst(%dma_wait3A_330 : memref<128x40xf32, #tpu.memory_space<vmem>>)
      %dma_wait3A_337 = arith.constant 6 : i32
      %dma_wait3A_338 = arith.constant 768 : i32
      %dma_wait3A_339 = arith.constant 0 : i32
      %dma_wait3A_340 = tpu.memref_slice %arg7[%rem3A_262, %dma_wait3A_338, %dma_wait3A_339] : memref<2x1024x40xf32, #tpu.memory_space<vmem>> -> memref<1x128x40xf32, #tpu.memory_space<vmem>>
      %dma_wait3A_341 = tpu.memref_squeeze %dma_wait3A_340 : memref<1x128x40xf32, #tpu.memory_space<vmem>> -> memref<128x40xf32, #tpu.memory_space<vmem>>
      %dma_wait3A_342 = arith.constant 0 : i32
      %dma_wait3A_343 = tpu.memref_slice %arg6[%rem3A_262, %dma_wait3A_337, %dma_wait3A_342] : memref<2x8x128xi32, #tpu.memory_space<vmem>> -> memref<1x1x128xi32, #tpu.memory_space<vmem>>
      %dma_wait3A_344 = tpu.memref_squeeze %dma_wait3A_343 : memref<1x1x128xi32, #tpu.memory_space<vmem>> -> memref<128xi32, #tpu.memory_space<vmem>>
      %dma_wait3A_345 = arith.constant 0 : i32
      %dma_wait3A_346 = arith.constant 0 : i32
      %dma_wait3A_347 = tpu.memref_slice %arg3[%dma_wait3A_345, %dma_wait3A_346] : memref<1000x40xf32, #tpu.memory_space<hbm>> -> memref<1000x40xf32, #tpu.memory_space<hbm>>
      tpu.wait_indirect_dma semaphore(%arg11 : memref<!tpu.dma_semaphore, #tpu.memory_space<semaphore_mem>>) src(%dma_wait3A_347 : memref<1000x40xf32, #tpu.memory_space<hbm>>) dst(%dma_wait3A_341 : memref<128x40xf32, #tpu.memory_space<vmem>>)
      %dma_wait3A_348 = arith.constant 7 : i32
      %dma_wait3A_349 = arith.constant 896 : i32
      %dma_wait3A_350 = arith.constant 0 : i32
      %dma_wait3A_351 = tpu.memref_slice %arg7[%rem3A_262, %dma_wait3A_349, %dma_wait3A_350] : memref<2x1024x40xf32, #tpu.memory_space<vmem>> -> memref<1x128x40xf32, #tpu.memory_space<vmem>>
      %dma_wait3A_352 = tpu.memref_squeeze %dma_wait3A_351 : memref<1x128x40xf32, #tpu.memory_space<vmem>> -> memref<128x40xf32, #tpu.memory_space<vmem>>
      %dma_wait3A_353 = arith.constant 0 : i32
      %dma_wait3A_354 = tpu.memref_slice %arg6[%rem3A_262, %dma_wait3A_348, %dma_wait3A_353] : memref<2x8x128xi32, #tpu.memory_space<vmem>> -> memref<1x1x128xi32, #tpu.memory_space<vmem>>
      %dma_wait3A_355 = tpu.memref_squeeze %dma_wait3A_354 : memref<1x1x128xi32, #tpu.memory_space<vmem>> -> memref<128xi32, #tpu.memory_space<vmem>>
      %dma_wait3A_356 = arith.constant 0 : i32
      %dma_wait3A_357 = arith.constant 0 : i32
      %dma_wait3A_358 = tpu.memref_slice %arg3[%dma_wait3A_356, %dma_wait3A_357] : memref<1000x40xf32, #tpu.memory_space<hbm>> -> memref<1000x40xf32, #tpu.memory_space<hbm>>
      tpu.wait_indirect_dma semaphore(%arg11 : memref<!tpu.dma_semaphore, #tpu.memory_space<semaphore_mem>>) src(%dma_wait3A_358 : memref<1000x40xf32, #tpu.memory_space<hbm>>) dst(%dma_wait3A_352 : memref<128x40xf32, #tpu.memory_space<vmem>>)
      %dma_wait3A_359 = arith.constant 0 : i32
      %dma_wait3A_360 = arith.constant 0 : i32
      %dma_wait3A_361 = tpu.memref_slice %arg6[%sub3A_263, %dma_wait3A_359, %dma_wait3A_360] : memref<2x8x128xi32, #tpu.memory_space<vmem>> -> memref<1x8x128xi32, #tpu.memory_space<vmem>>
      %dma_wait3A_362 = tpu.memref_squeeze %dma_wait3A_361 : memref<1x8x128xi32, #tpu.memory_space<vmem>> -> memref<8x128xi32, #tpu.memory_space<vmem>>
      %dma_wait3A_363 = arith.constant 0 : i32
      %dma_wait3A_364 = arith.constant 0 : i32
      %dma_wait3A_365 = tpu.memref_slice %arg2[%min3A_266, %add3A, %dma_wait3A_363, %dma_wait3A_364] : memref<25x32x8x128xi32, #tpu.memory_space<hbm>> -> memref<1x1x8x128xi32, #tpu.memory_space<hbm>>
      %dma_wait3A_366 = tpu.memref_squeeze %dma_wait3A_365 : memref<1x1x8x128xi32, #tpu.memory_space<hbm>> -> memref<8x128xi32, #tpu.memory_space<hbm>>
      %dma_wait3A_367 = arith.constant 0 : i32
      %dma_wait3A_368 = arith.constant 0 : i32
      %dma_wait3A_369 = tpu.memref_slice %arg6[%sub3A_263, %dma_wait3A_367, %dma_wait3A_368] : memref<2x8x128xi32, #tpu.memory_space<vmem>> -> memref<1x8x128xi32, #tpu.memory_space<vmem>>
      %dma_wait3A_370 = tpu.memref_squeeze %dma_wait3A_369 : memref<1x8x128xi32, #tpu.memory_space<vmem>> -> memref<8x128xi32, #tpu.memory_space<vmem>>
      %dma_wait3A_371 = arith.constant 0 : i32
      %dma_wait3A_372 = arith.constant 0 : i32
      %dma_wait3A_373 = tpu.memref_slice %arg2[%min3A_266, %add3A, %dma_wait3A_371, %dma_wait3A_372] : memref<25x32x8x128xi32, #tpu.memory_space<hbm>> -> memref<1x1x8x128xi32, #tpu.memory_space<hbm>>
      %dma_wait3A_374 = tpu.memref_squeeze %dma_wait3A_373 : memref<1x1x8x128xi32, #tpu.memory_space<hbm>> -> memref<8x128xi32, #tpu.memory_space<hbm>>
      tpu.wait_dma2 semaphore(%arg10 : memref<!tpu.dma_semaphore, #tpu.memory_space<semaphore_mem>>) src(%dma_wait3A_374 : memref<8x128xi32, #tpu.memory_space<hbm>>) dst(%dma_wait3A_370 : memref<8x128xi32, #tpu.memory_space<vmem>>)
      %dma_start3A_375 = arith.constant 0 : i32
      %dma_start3A_376 = arith.constant 0 : i32
      %dma_start3A_377 = tpu.memref_slice %arg6[%rem3A_262, %dma_start3A_375, %dma_start3A_376] : memref<2x8x128xi32, #tpu.memory_space<vmem>> -> memref<1x8x128xi32, #tpu.memory_space<vmem>>
      %dma_start3A_378 = tpu.memref_squeeze %dma_start3A_377 : memref<1x8x128xi32, #tpu.memory_space<vmem>> -> memref<8x128xi32, #tpu.memory_space<vmem>>
      %dma_start3A_379 = arith.constant 0 : i32
      %dma_start3A_380 = arith.constant 0 : i32
      %dma_start3A_381 = tpu.memref_slice %arg2[%min3A_270, %add3A, %dma_start3A_379, %dma_start3A_380] : memref<25x32x8x128xi32, #tpu.memory_space<hbm>> -> memref<1x1x8x128xi32, #tpu.memory_space<hbm>>
      %dma_start3A_382 = tpu.memref_squeeze %dma_start3A_381 : memref<1x1x8x128xi32, #tpu.memory_space<hbm>> -> memref<8x128xi32, #tpu.memory_space<hbm>>
      %dma_start3A_383 = arith.constant 0 : i32
      %dma_start3A_384 = arith.constant 0 : i32
      %dma_start3A_385 = tpu.memref_slice %arg6[%rem3A_262, %dma_start3A_383, %dma_start3A_384] : memref<2x8x128xi32, #tpu.memory_space<vmem>> -> memref<1x8x128xi32, #tpu.memory_space<vmem>>
      %dma_start3A_386 = tpu.memref_squeeze %dma_start3A_385 : memref<1x8x128xi32, #tpu.memory_space<vmem>> -> memref<8x128xi32, #tpu.memory_space<vmem>>
      %dma_start3A_387 = arith.constant 0 : i32
      %dma_start3A_388 = arith.constant 0 : i32
      %dma_start3A_389 = tpu.memref_slice %arg2[%min3A_270, %add3A, %dma_start3A_387, %dma_start3A_388] : memref<25x32x8x128xi32, #tpu.memory_space<hbm>> -> memref<1x1x8x128xi32, #tpu.memory_space<hbm>>
      %dma_start3A_390 = tpu.memref_squeeze %dma_start3A_389 : memref<1x1x8x128xi32, #tpu.memory_space<hbm>> -> memref<8x128xi32, #tpu.memory_space<hbm>>
      tpu.enqueue_dma source(%dma_start3A_390 : memref<8x128xi32, #tpu.memory_space<hbm>>) target(%dma_start3A_386 : memref<8x128xi32, #tpu.memory_space<vmem>>) target_semaphore(%arg10 : memref<!tpu.dma_semaphore, #tpu.memory_space<semaphore_mem>>)
      %dma_start3A_391 = arith.constant 0 : i32
      %dma_start3A_392 = arith.constant 0 : i32
      %dma_start3A_393 = arith.constant 0 : i32
      %dma_start3A_394 = tpu.memref_slice %arg7[%sub3A_263, %dma_start3A_392, %dma_start3A_393] : memref<2x1024x40xf32, #tpu.memory_space<vmem>> -> memref<1x128x40xf32, #tpu.memory_space<vmem>>
      %dma_start3A_395 = tpu.memref_squeeze %dma_start3A_394 : memref<1x128x40xf32, #tpu.memory_space<vmem>> -> memref<128x40xf32, #tpu.memory_space<vmem>>
      %dma_start3A_396 = arith.constant 0 : i32
      %dma_start3A_397 = tpu.memref_slice %arg6[%sub3A_263, %dma_start3A_391, %dma_start3A_396] : memref<2x8x128xi32, #tpu.memory_space<vmem>> -> memref<1x1x128xi32, #tpu.memory_space<vmem>>
      %dma_start3A_398 = tpu.memref_squeeze %dma_start3A_397 : memref<1x1x128xi32, #tpu.memory_space<vmem>> -> memref<128xi32, #tpu.memory_space<vmem>>
      %dma_start3A_399 = arith.constant 0 : i32
      %dma_start3A_400 = arith.constant 0 : i32
      %dma_start3A_401 = tpu.memref_slice %arg3[%dma_start3A_399, %dma_start3A_400] : memref<1000x40xf32, #tpu.memory_space<hbm>> -> memref<1000x40xf32, #tpu.memory_space<hbm>>
      tpu.enqueue_indirect_dma source(%dma_start3A_401 : memref<1000x40xf32, #tpu.memory_space<hbm>>) target(%dma_start3A_395 : memref<128x40xf32, #tpu.memory_space<vmem>>) offsets(%dma_start3A_398 : memref<128xi32, #tpu.memory_space<vmem>>) semaphore(%arg11 : memref<!tpu.dma_semaphore, #tpu.memory_space<semaphore_mem>>)
      %dma_start3A_402 = arith.constant 1 : i32
      %dma_start3A_403 = arith.constant 128 : i32
      %dma_start3A_404 = arith.constant 0 : i32
      %dma_start3A_405 = tpu.memref_slice %arg7[%sub3A_263, %dma_start3A_403, %dma_start3A_404] : memref<2x1024x40xf32, #tpu.memory_space<vmem>> -> memref<1x128x40xf32, #tpu.memory_space<vmem>>
      %dma_start3A_406 = tpu.memref_squeeze %dma_start3A_405 : memref<1x128x40xf32, #tpu.memory_space<vmem>> -> memref<128x40xf32, #tpu.memory_space<vmem>>
      %dma_start3A_407 = arith.constant 0 : i32
      %dma_start3A_408 = tpu.memref_slice %arg6[%sub3A_263, %dma_start3A_402, %dma_start3A_407] : memref<2x8x128xi32, #tpu.memory_space<vmem>> -> memref<1x1x128xi32, #tpu.memory_space<vmem>>
      %dma_start3A_409 = tpu.memref_squeeze %dma_start3A_408 : memref<1x1x128xi32, #tpu.memory_space<vmem>> -> memref<128xi32, #tpu.memory_space<vmem>>
      %dma_start3A_410 = arith.constant 0 : i32
      %dma_start3A_411 = arith.constant 0 : i32
      %dma_start3A_412 = tpu.memref_slice %arg3[%dma_start3A_410, %dma_start3A_411] : memref<1000x40xf32, #tpu.memory_space<hbm>> -> memref<1000x40xf32, #tpu.memory_space<hbm>>
      tpu.enqueue_indirect_dma source(%dma_start3A_412 : memref<1000x40xf32, #tpu.memory_space<hbm>>) target(%dma_start3A_406 : memref<128x40xf32, #tpu.memory_space<vmem>>) offsets(%dma_start3A_409 : memref<128xi32, #tpu.memory_space<vmem>>) semaphore(%arg11 : memref<!tpu.dma_semaphore, #tpu.memory_space<semaphore_mem>>)
      %dma_start3A_413 = arith.constant 2 : i32
      %dma_start3A_414 = arith.constant 256 : i32
      %dma_start3A_415 = arith.constant 0 : i32
      %dma_start3A_416 = tpu.memref_slice %arg7[%sub3A_263, %dma_start3A_414, %dma_start3A_415] : memref<2x1024x40xf32, #tpu.memory_space<vmem>> -> memref<1x128x40xf32, #tpu.memory_space<vmem>>
      %dma_start3A_417 = tpu.memref_squeeze %dma_start3A_416 : memref<1x128x40xf32, #tpu.memory_space<vmem>> -> memref<128x40xf32, #tpu.memory_space<vmem>>
      %dma_start3A_418 = arith.constant 0 : i32
      %dma_start3A_419 = tpu.memref_slice %arg6[%sub3A_263, %dma_start3A_413, %dma_start3A_418] : memref<2x8x128xi32, #tpu.memory_space<vmem>> -> memref<1x1x128xi32, #tpu.memory_space<vmem>>
      %dma_start3A_420 = tpu.memref_squeeze %dma_start3A_419 : memref<1x1x128xi32, #tpu.memory_space<vmem>> -> memref<128xi32, #tpu.memory_space<vmem>>
      %dma_start3A_421 = arith.constant 0 : i32
      %dma_start3A_422 = arith.constant 0 : i32
      %dma_start3A_423 = tpu.memref_slice %arg3[%dma_start3A_421, %dma_start3A_422] : memref<1000x40xf32, #tpu.memory_space<hbm>> -> memref<1000x40xf32, #tpu.memory_space<hbm>>
      tpu.enqueue_indirect_dma source(%dma_start3A_423 : memref<1000x40xf32, #tpu.memory_space<hbm>>) target(%dma_start3A_417 : memref<128x40xf32, #tpu.memory_space<vmem>>) offsets(%dma_start3A_420 : memref<128xi32, #tpu.memory_space<vmem>>) semaphore(%arg11 : memref<!tpu.dma_semaphore, #tpu.memory_space<semaphore_mem>>)
      %dma_start3A_424 = arith.constant 3 : i32
      %dma_start3A_425 = arith.constant 384 : i32
      %dma_start3A_426 = arith.constant 0 : i32
      %dma_start3A_427 = tpu.memref_slice %arg7[%sub3A_263, %dma_start3A_425, %dma_start3A_426] : memref<2x1024x40xf32, #tpu.memory_space<vmem>> -> memref<1x128x40xf32, #tpu.memory_space<vmem>>
      %dma_start3A_428 = tpu.memref_squeeze %dma_start3A_427 : memref<1x128x40xf32, #tpu.memory_space<vmem>> -> memref<128x40xf32, #tpu.memory_space<vmem>>
      %dma_start3A_429 = arith.constant 0 : i32
      %dma_start3A_430 = tpu.memref_slice %arg6[%sub3A_263, %dma_start3A_424, %dma_start3A_429] : memref<2x8x128xi32, #tpu.memory_space<vmem>> -> memref<1x1x128xi32, #tpu.memory_space<vmem>>
      %dma_start3A_431 = tpu.memref_squeeze %dma_start3A_430 : memref<1x1x128xi32, #tpu.memory_space<vmem>> -> memref<128xi32, #tpu.memory_space<vmem>>
      %dma_start3A_432 = arith.constant 0 : i32
      %dma_start3A_433 = arith.constant 0 : i32
      %dma_start3A_434 = tpu.memref_slice %arg3[%dma_start3A_432, %dma_start3A_433] : memref<1000x40xf32, #tpu.memory_space<hbm>> -> memref<1000x40xf32, #tpu.memory_space<hbm>>
      tpu.enqueue_indirect_dma source(%dma_start3A_434 : memref<1000x40xf32, #tpu.memory_space<hbm>>) target(%dma_start3A_428 : memref<128x40xf32, #tpu.memory_space<vmem>>) offsets(%dma_start3A_431 : memref<128xi32, #tpu.memory_space<vmem>>) semaphore(%arg11 : memref<!tpu.dma_semaphore, #tpu.memory_space<semaphore_mem>>)
      %dma_start3A_435 = arith.constant 4 : i32
      %dma_start3A_436 = arith.constant 512 : i32
      %dma_start3A_437 = arith.constant 0 : i32
      %dma_start3A_438 = tpu.memref_slice %arg7[%sub3A_263, %dma_start3A_436, %dma_start3A_437] : memref<2x1024x40xf32, #tpu.memory_space<vmem>> -> memref<1x128x40xf32, #tpu.memory_space<vmem>>
      %dma_start3A_439 = tpu.memref_squeeze %dma_start3A_438 : memref<1x128x40xf32, #tpu.memory_space<vmem>> -> memref<128x40xf32, #tpu.memory_space<vmem>>
      %dma_start3A_440 = arith.constant 0 : i32
      %dma_start3A_441 = tpu.memref_slice %arg6[%sub3A_263, %dma_start3A_435, %dma_start3A_440] : memref<2x8x128xi32, #tpu.memory_space<vmem>> -> memref<1x1x128xi32, #tpu.memory_space<vmem>>
      %dma_start3A_442 = tpu.memref_squeeze %dma_start3A_441 : memref<1x1x128xi32, #tpu.memory_space<vmem>> -> memref<128xi32, #tpu.memory_space<vmem>>
      %dma_start3A_443 = arith.constant 0 : i32
      %dma_start3A_444 = arith.constant 0 : i32
      %dma_start3A_445 = tpu.memref_slice %arg3[%dma_start3A_443, %dma_start3A_444] : memref<1000x40xf32, #tpu.memory_space<hbm>> -> memref<1000x40xf32, #tpu.memory_space<hbm>>
      tpu.enqueue_indirect_dma source(%dma_start3A_445 : memref<1000x40xf32, #tpu.memory_space<hbm>>) target(%dma_start3A_439 : memref<128x40xf32, #tpu.memory_space<vmem>>) offsets(%dma_start3A_442 : memref<128xi32, #tpu.memory_space<vmem>>) semaphore(%arg11 : memref<!tpu.dma_semaphore, #tpu.memory_space<semaphore_mem>>)
      %dma_start3A_446 = arith.constant 5 : i32
      %dma_start3A_447 = arith.constant 640 : i32
      %dma_start3A_448 = arith.constant 0 : i32
      %dma_start3A_449 = tpu.memref_slice %arg7[%sub3A_263, %dma_start3A_447, %dma_start3A_448] : memref<2x1024x40xf32, #tpu.memory_space<vmem>> -> memref<1x128x40xf32, #tpu.memory_space<vmem>>
      %dma_start3A_450 = tpu.memref_squeeze %dma_start3A_449 : memref<1x128x40xf32, #tpu.memory_space<vmem>> -> memref<128x40xf32, #tpu.memory_space<vmem>>
      %dma_start3A_451 = arith.constant 0 : i32
      %dma_start3A_452 = tpu.memref_slice %arg6[%sub3A_263, %dma_start3A_446, %dma_start3A_451] : memref<2x8x128xi32, #tpu.memory_space<vmem>> -> memref<1x1x128xi32, #tpu.memory_space<vmem>>
      %dma_start3A_453 = tpu.memref_squeeze %dma_start3A_452 : memref<1x1x128xi32, #tpu.memory_space<vmem>> -> memref<128xi32, #tpu.memory_space<vmem>>
      %dma_start3A_454 = arith.constant 0 : i32
      %dma_start3A_455 = arith.constant 0 : i32
      %dma_start3A_456 = tpu.memref_slice %arg3[%dma_start3A_454, %dma_start3A_455] : memref<1000x40xf32, #tpu.memory_space<hbm>> -> memref<1000x40xf32, #tpu.memory_space<hbm>>
      tpu.enqueue_indirect_dma source(%dma_start3A_456 : memref<1000x40xf32, #tpu.memory_space<hbm>>) target(%dma_start3A_450 : memref<128x40xf32, #tpu.memory_space<vmem>>) offsets(%dma_start3A_453 : memref<128xi32, #tpu.memory_space<vmem>>) semaphore(%arg11 : memref<!tpu.dma_semaphore, #tpu.memory_space<semaphore_mem>>)
      %dma_start3A_457 = arith.constant 6 : i32
      %dma_start3A_458 = arith.constant 768 : i32
      %dma_start3A_459 = arith.constant 0 : i32
      %dma_start3A_460 = tpu.memref_slice %arg7[%sub3A_263, %dma_start3A_458, %dma_start3A_459] : memref<2x1024x40xf32, #tpu.memory_space<vmem>> -> memref<1x128x40xf32, #tpu.memory_space<vmem>>
      %dma_start3A_461 = tpu.memref_squeeze %dma_start3A_460 : memref<1x128x40xf32, #tpu.memory_space<vmem>> -> memref<128x40xf32, #tpu.memory_space<vmem>>
      %dma_start3A_462 = arith.constant 0 : i32
      %dma_start3A_463 = tpu.memref_slice %arg6[%sub3A_263, %dma_start3A_457, %dma_start3A_462] : memref<2x8x128xi32, #tpu.memory_space<vmem>> -> memref<1x1x128xi32, #tpu.memory_space<vmem>>
      %dma_start3A_464 = tpu.memref_squeeze %dma_start3A_463 : memref<1x1x128xi32, #tpu.memory_space<vmem>> -> memref<128xi32, #tpu.memory_space<vmem>>
      %dma_start3A_465 = arith.constant 0 : i32
      %dma_start3A_466 = arith.constant 0 : i32
      %dma_start3A_467 = tpu.memref_slice %arg3[%dma_start3A_465, %dma_start3A_466] : memref<1000x40xf32, #tpu.memory_space<hbm>> -> memref<1000x40xf32, #tpu.memory_space<hbm>>
      tpu.enqueue_indirect_dma source(%dma_start3A_467 : memref<1000x40xf32, #tpu.memory_space<hbm>>) target(%dma_start3A_461 : memref<128x40xf32, #tpu.memory_space<vmem>>) offsets(%dma_start3A_464 : memref<128xi32, #tpu.memory_space<vmem>>) semaphore(%arg11 : memref<!tpu.dma_semaphore, #tpu.memory_space<semaphore_mem>>)
      %dma_start3A_468 = arith.constant 7 : i32
      %dma_start3A_469 = arith.constant 896 : i32
      %dma_start3A_470 = arith.constant 0 : i32
      %dma_start3A_471 = tpu.memref_slice %arg7[%sub3A_263, %dma_start3A_469, %dma_start3A_470] : memref<2x1024x40xf32, #tpu.memory_space<vmem>> -> memref<1x128x40xf32, #tpu.memory_space<vmem>>
      %dma_start3A_472 = tpu.memref_squeeze %dma_start3A_471 : memref<1x128x40xf32, #tpu.memory_space<vmem>> -> memref<128x40xf32, #tpu.memory_space<vmem>>
      %dma_start3A_473 = arith.constant 0 : i32
      %dma_start3A_474 = tpu.memref_slice %arg6[%sub3A_263, %dma_start3A_468, %dma_start3A_473] : memref<2x8x128xi32, #tpu.memory_space<vmem>> -> memref<1x1x128xi32, #tpu.memory_space<vmem>>
      %dma_start3A_475 = tpu.memref_squeeze %dma_start3A_474 : memref<1x1x128xi32, #tpu.memory_space<vmem>> -> memref<128xi32, #tpu.memory_space<vmem>>
      %dma_start3A_476 = arith.constant 0 : i32
      %dma_start3A_477 = arith.constant 0 : i32
      %dma_start3A_478 = tpu.memref_slice %arg3[%dma_start3A_476, %dma_start3A_477] : memref<1000x40xf32, #tpu.memory_space<hbm>> -> memref<1000x40xf32, #tpu.memory_space<hbm>>
      tpu.enqueue_indirect_dma source(%dma_start3A_478 : memref<1000x40xf32, #tpu.memory_space<hbm>>) target(%dma_start3A_472 : memref<128x40xf32, #tpu.memory_space<vmem>>) offsets(%dma_start3A_475 : memref<128xi32, #tpu.memory_space<vmem>>) semaphore(%arg11 : memref<!tpu.dma_semaphore, #tpu.memory_space<semaphore_mem>>)
      %gt3A = arith.constant 0 : i32
      %gt3A_479 = arith.cmpi sgt, %scan3A_261, %gt3A : i32
      %convert_element_type3A = arith.extui %gt3A_479 : i1 to i32
      %cond3A = arith.constant 0 : i32
      %cond3A_480 = arith.cmpi ne, %convert_element_type3A, %cond3A : i32
      scf.if %cond3A_480 {
        %sub3A_495 = arith.constant 1 : i32
        %sub3A_496 = arith.subi %scan3A_261, %sub3A_495 : i32
        %mul3A_497 = arith.constant 8 : i32
        %mul3A_498 = arith.muli %mul3A_497, %sub3A_496 : i32
        %dma_wait3A_499 = arith.constant 0 : i32
        %dma_wait3A_500 = arith.constant 0 : i32
        %dma_wait3A_501 = arith.constant 0 : i32
        %dma_wait3A_502 = tpu.memref_slice %arg5[%mul3A_498, %dma_wait3A_499, %add3A, %dma_wait3A_500, %dma_wait3A_501] : memref<200x4x32x8x128xf32, #tpu.memory_space<hbm>> -> memref<8x4x1x8x128xf32, #tpu.memory_space<hbm>>
        %dma_wait3A_503 = tpu.memref_squeeze %dma_wait3A_502 : memref<8x4x1x8x128xf32, #tpu.memory_space<hbm>> -> memref<8x4x8x128xf32, #tpu.memory_space<hbm>>
        %dma_wait3A_504 = arith.constant 0 : i32
        %dma_wait3A_505 = arith.constant 0 : i32
        %dma_wait3A_506 = arith.constant 0 : i32
        %dma_wait3A_507 = tpu.memref_slice %arg5[%mul3A_498, %dma_wait3A_504, %add3A, %dma_wait3A_505, %dma_wait3A_506] : memref<200x4x32x8x128xf32, #tpu.memory_space<hbm>> -> memref<8x4x1x8x128xf32, #tpu.memory_space<hbm>>
        %dma_wait3A_508 = tpu.memref_squeeze %dma_wait3A_507 : memref<8x4x1x8x128xf32, #tpu.memory_space<hbm>> -> memref<8x4x8x128xf32, #tpu.memory_space<hbm>>
        tpu.wait_dma2 semaphore(%arg12 : memref<!tpu.dma_semaphore, #tpu.memory_space<semaphore_mem>>) src(%arg8 : memref<8x4x8x128xf32, #tpu.memory_space<vmem>>) dst(%dma_wait3A_508 : memref<8x4x8x128xf32, #tpu.memory_space<hbm>>)
      } else {
      }
      %parallel_loop3A = arith.constant 0 : i32
      %parallel_loop3A_481 = arith.constant 256 : i32
      %parallel_loop3A_482 = arith.constant 1 : i32
      scf.for %parallel_loop3A_495 = %parallel_loop3A to %parallel_loop3A_481 step %parallel_loop3A_482  : i32 {
        %parallel_loop3A_496 = arith.constant 8 : i32
        %parallel_loop3A_497 = arith.remsi %parallel_loop3A_495, %parallel_loop3A_496 : i32
        %parallel_loop3A_498 = arith.constant 8 : i32
        %parallel_loop3A_499 = arith.divsi %parallel_loop3A_495, %parallel_loop3A_498 : i32
        %parallel_loop3A_500 = arith.constant 0 : i32
        %parallel_loop3A_501 = arith.cmpi sgt, %parallel_loop3A_495, %parallel_loop3A_500 : i32
        %parallel_loop3A_502 = arith.extui %parallel_loop3A_501 : i1 to i32
        %parallel_loop3A_503 = arith.constant 0 : i32
        %parallel_loop3A_504 = arith.cmpi slt, %parallel_loop3A_495, %parallel_loop3A_503 : i32
        %parallel_loop3A_505 = arith.extui %parallel_loop3A_504 : i1 to i32
        %parallel_loop3A_506 = arith.subi %parallel_loop3A_502, %parallel_loop3A_505 : i32
        %parallel_loop3A_507 = arith.constant 0 : i32
        %parallel_loop3A_508 = arith.cmpi sgt, %parallel_loop3A_498, %parallel_loop3A_507 : i32
        %parallel_loop3A_509 = arith.extui %parallel_loop3A_508 : i1 to i32
        %parallel_loop3A_510 = arith.constant 0 : i32
        %parallel_loop3A_511 = arith.cmpi slt, %parallel_loop3A_498, %parallel_loop3A_510 : i32
        %parallel_loop3A_512 = arith.extui %parallel_loop3A_511 : i1 to i32
        %parallel_loop3A_513 = arith.subi %parallel_loop3A_509, %parallel_loop3A_512 : i32
        %parallel_loop3A_514 = arith.cmpi ne, %parallel_loop3A_506, %parallel_loop3A_513 : i32
        %parallel_loop3A_515 = arith.remsi %parallel_loop3A_495, %parallel_loop3A_498 : i32
        %parallel_loop3A_516 = arith.constant 0 : i32
        %parallel_loop3A_517 = arith.cmpi ne, %parallel_loop3A_515, %parallel_loop3A_516 : i32
        %parallel_loop3A_518 = arith.andi %parallel_loop3A_514, %parallel_loop3A_517 : i1
        %parallel_loop3A_519 = arith.constant 1 : i32
        %parallel_loop3A_520 = arith.subi %parallel_loop3A_499, %parallel_loop3A_519 : i32
        %parallel_loop3A_521 = arith.select %parallel_loop3A_518, %parallel_loop3A_520, %parallel_loop3A_499 : i32
        %parallel_loop3A_522 = arith.constant 8 : i32
        %parallel_loop3A_523 = arith.remsi %parallel_loop3A_521, %parallel_loop3A_522 : i32
        %parallel_loop3A_524 = arith.constant 64 : i32
        %parallel_loop3A_525 = arith.divsi %parallel_loop3A_495, %parallel_loop3A_524 : i32
        %parallel_loop3A_526 = arith.constant 0 : i32
        %parallel_loop3A_527 = arith.cmpi sgt, %parallel_loop3A_495, %parallel_loop3A_526 : i32
        %parallel_loop3A_528 = arith.extui %parallel_loop3A_527 : i1 to i32
        %parallel_loop3A_529 = arith.constant 0 : i32
        %parallel_loop3A_530 = arith.cmpi slt, %parallel_loop3A_495, %parallel_loop3A_529 : i32
        %parallel_loop3A_531 = arith.extui %parallel_loop3A_530 : i1 to i32
        %parallel_loop3A_532 = arith.subi %parallel_loop3A_528, %parallel_loop3A_531 : i32
        %parallel_loop3A_533 = arith.constant 0 : i32
        %parallel_loop3A_534 = arith.cmpi sgt, %parallel_loop3A_524, %parallel_loop3A_533 : i32
        %parallel_loop3A_535 = arith.extui %parallel_loop3A_534 : i1 to i32
        %parallel_loop3A_536 = arith.constant 0 : i32
        %parallel_loop3A_537 = arith.cmpi slt, %parallel_loop3A_524, %parallel_loop3A_536 : i32
        %parallel_loop3A_538 = arith.extui %parallel_loop3A_537 : i1 to i32
        %parallel_loop3A_539 = arith.subi %parallel_loop3A_535, %parallel_loop3A_538 : i32
        %parallel_loop3A_540 = arith.cmpi ne, %parallel_loop3A_532, %parallel_loop3A_539 : i32
        %parallel_loop3A_541 = arith.remsi %parallel_loop3A_495, %parallel_loop3A_524 : i32
        %parallel_loop3A_542 = arith.constant 0 : i32
        %parallel_loop3A_543 = arith.cmpi ne, %parallel_loop3A_541, %parallel_loop3A_542 : i32
        %parallel_loop3A_544 = arith.andi %parallel_loop3A_540, %parallel_loop3A_543 : i1
        %parallel_loop3A_545 = arith.constant 1 : i32
        %parallel_loop3A_546 = arith.subi %parallel_loop3A_525, %parallel_loop3A_545 : i32
        %parallel_loop3A_547 = arith.select %parallel_loop3A_544, %parallel_loop3A_546, %parallel_loop3A_525 : i32
        %parallel_loop3A_548 = arith.constant 8 : i32
        %parallel_loop3A_549 = arith.muli %parallel_loop3A_548, %parallel_loop3A_547 : i32
        %parallel_loop3A_550 = arith.constant 8 : i32
        %parallel_loop3A_551 = arith.muli %parallel_loop3A_550, %scan3A_261 : i32
        %parallel_loop3A_552 = arith.addi %parallel_loop3A_551, %parallel_loop3A_523 : i32
        %parallel_loop3A_553 = arith.index_cast %parallel_loop3A_552 : i32 to index
        %parallel_loop3A_554 = arith.constant 0 : index
        %parallel_loop3A_555 = tpu.vector_load %arg9[%parallel_loop3A_553, %parallel_loop3A_554] {strides = array<i32>} : memref<200x32xf32, #tpu.memory_space<vmem>>, vector<16xf32>,
        %parallel_loop3A_556 = arith.index_cast %parallel_loop3A_552 : i32 to index
        %parallel_loop3A_557 = arith.constant 16 : index
        %parallel_loop3A_558 = tpu.vector_load %arg9[%parallel_loop3A_556, %parallel_loop3A_557] {strides = array<i32>} : memref<200x32xf32, #tpu.memory_space<vmem>>, vector<16xf32>,
        %parallel_loop3A_559 = arith.constant 2 : i32
        %parallel_loop3A_560 = arith.cmpi slt, %parallel_loop3A_547, %parallel_loop3A_559 : i32
        %parallel_loop3A_561 = arith.select %parallel_loop3A_560, %parallel_loop3A_555, %parallel_loop3A_558 : vector<16xf32>
        %parallel_loop3A_562 = arith.constant 0 : i32
        %parallel_loop3A_563 = vector.broadcast %parallel_loop3A_562 : i32 to vector<16xi32>
        %parallel_loop3A_564 = arith.constant 16 : i32
        %parallel_loop3A_565 = arith.remsi %parallel_loop3A_549, %parallel_loop3A_564 : i32
        %parallel_loop3A_566 = vector.broadcast %parallel_loop3A_565 : i32 to vector<16xi32>
        %parallel_loop3A_567 = arith.addi %parallel_loop3A_563, %parallel_loop3A_566 : vector<16xi32>
        %parallel_loop3A_568 = arith.constant 128 : i32
        %parallel_loop3A_569 = arith.muli %parallel_loop3A_523, %parallel_loop3A_568 : i32
        %parallel_loop3A_570 = arith.constant 16 : i32
        %parallel_loop3A_571 = arith.muli %parallel_loop3A_570, %parallel_loop3A_497 : i32
        %parallel_loop3A_572 = arith.addi %parallel_loop3A_569, %parallel_loop3A_571 : i32
        %parallel_loop3A_573 = arith.constant 40 : i32
        %parallel_loop3A_574 = arith.muli %parallel_loop3A_573, %parallel_loop3A_572 : i32
        %parallel_loop3A_575 = arith.addi %parallel_loop3A_574, %parallel_loop3A_549 : i32
        %parallel_loop3A_576 = arith.constant 16 : i32
        %parallel_loop3A_577 = arith.muli %parallel_loop3A_576, %parallel_loop3A_497 : i32
        %parallel_loop3A_578 = arith.constant 0 : i32
        %parallel_loop3A_579 = vector.broadcast %parallel_loop3A_578 : i32 to vector<16xi32>
        %parallel_loop3A_580 = arith.constant 0 : i32
        %parallel_loop3A_581 = arith.addi %parallel_loop3A_575, %parallel_loop3A_580 : i32
        %parallel_loop3A_582 = vector.broadcast %parallel_loop3A_581 : i32 to vector<16xi32>
        %parallel_loop3A_583 = arith.addi %parallel_loop3A_579, %parallel_loop3A_582 : vector<16xi32>
        %parallel_loop3A_584 = arith.constant 0 : i32
        %parallel_loop3A_585 = arith.constant 0 : i32
        %parallel_loop3A_586 = tpu.memref_slice %arg7[%rem3A_262, %parallel_loop3A_584, %parallel_loop3A_585] : memref<2x1024x40xf32, #tpu.memory_space<vmem>> -> memref<1x1024x40xf32, #tpu.memory_space<vmem>>
        %parallel_loop3A_587 = tpu.memref_squeeze %parallel_loop3A_586 : memref<1x1024x40xf32, #tpu.memory_space<vmem>> -> memref<1024x40xf32, #tpu.memory_space<vmem>>
        %parallel_loop3A_588 = tpu.vector_load_idx %parallel_loop3A_587[%iota3A, %parallel_loop3A_583] : memref<1024x40xf32, #tpu.memory_space<vmem>>[vector<16xi32>, vector<16xi32>], vector<16xf32>,
        %parallel_loop3A_589 = arith.constant 0 : i32
        %parallel_loop3A_590 = vector.broadcast %parallel_loop3A_589 : i32 to vector<16xi32>
        %parallel_loop3A_591 = arith.addi %parallel_loop3A_567, %parallel_loop3A_590 : vector<16xi32>
        %parallel_loop3A_592 = arith.constant 0 : i32
        %parallel_loop3A_593 = vector.broadcast %parallel_loop3A_592 : i32 to vector<16xi32>
        %parallel_loop3A_594 = arith.cmpi slt, %parallel_loop3A_591, %parallel_loop3A_593 : vector<16xi32>
        %parallel_loop3A_595 = arith.constant 16 : i32
        %parallel_loop3A_596 = vector.broadcast %parallel_loop3A_595 : i32 to vector<16xi32>
        %parallel_loop3A_597 = arith.addi %parallel_loop3A_591, %parallel_loop3A_596 : vector<16xi32>
        %parallel_loop3A_598 = arith.select %parallel_loop3A_594, %parallel_loop3A_597, %parallel_loop3A_591 : vector<16xi1>, vector<16xi32>
        %parallel_loop3A_599 = vector.shape_cast %parallel_loop3A_598 : vector<16xi32> to vector<16x1xi32>
        %parallel_loop3A_600 = vector.shape_cast %parallel_loop3A_599 : vector<16x1xi32> to vector<16xi32>
        %parallel_loop3A_601 = tpu.dynamic_gather %parallel_loop3A_561[%parallel_loop3A_600] in [0] : vector<16xf32>, vector<16xi32> -> vector<16xf32>
        %parallel_loop3A_602 = arith.addf %parallel_loop3A_588, %parallel_loop3A_601 : vector<16xf32>
        %parallel_loop3A_603 = arith.constant 0 : i32
        %parallel_loop3A_604 = arith.index_cast %parallel_loop3A_523 : i32 to index
        %parallel_loop3A_605 = arith.index_cast %parallel_loop3A_547 : i32 to index
        %parallel_loop3A_606 = arith.index_cast %parallel_loop3A_603 : i32 to index
        %parallel_loop3A_607 = arith.index_cast %parallel_loop3A_577 : i32 to index
        %parallel_loop3A_608 = tpu.vector_load %arg8[%parallel_loop3A_604, %parallel_loop3A_605, %parallel_loop3A_606, %parallel_loop3A_607] {strides = array<i32>} : memref<8x4x8x128xf32, #tpu.memory_space<vmem>>, vector<16xf32>,
        tpu.vector_store %arg8[%parallel_loop3A_604, %parallel_loop3A_605, %parallel_loop3A_606, %parallel_loop3A_607], %parallel_loop3A_602 {strides = array<i32>} : memref<8x4x8x128xf32, #tpu.memory_space<vmem>>, vector<16xf32>,
        %parallel_loop3A_609 = arith.constant 0 : i32
        %parallel_loop3A_610 = vector.broadcast %parallel_loop3A_609 : i32 to vector<16xi32>
        %parallel_loop3A_611 = arith.constant 1 : i32
        %parallel_loop3A_612 = arith.addi %parallel_loop3A_575, %parallel_loop3A_611 : i32
        %parallel_loop3A_613 = vector.broadcast %parallel_loop3A_612 : i32 to vector<16xi32>
        %parallel_loop3A_614 = arith.addi %parallel_loop3A_610, %parallel_loop3A_613 : vector<16xi32>
        %parallel_loop3A_615 = arith.constant 0 : i32
        %parallel_loop3A_616 = arith.constant 0 : i32
        %parallel_loop3A_617 = tpu.memref_slice %arg7[%rem3A_262, %parallel_loop3A_615, %parallel_loop3A_616] : memref<2x1024x40xf32, #tpu.memory_space<vmem>> -> memref<1x1024x40xf32, #tpu.memory_space<vmem>>
        %parallel_loop3A_618 = tpu.memref_squeeze %parallel_loop3A_617 : memref<1x1024x40xf32, #tpu.memory_space<vmem>> -> memref<1024x40xf32, #tpu.memory_space<vmem>>
        %parallel_loop3A_619 = tpu.vector_load_idx %parallel_loop3A_618[%iota3A, %parallel_loop3A_614] : memref<1024x40xf32, #tpu.memory_space<vmem>>[vector<16xi32>, vector<16xi32>], vector<16xf32>,
        %parallel_loop3A_620 = arith.constant 1 : i32
        %parallel_loop3A_621 = vector.broadcast %parallel_loop3A_620 : i32 to vector<16xi32>
        %parallel_loop3A_622 = arith.addi %parallel_loop3A_567, %parallel_loop3A_621 : vector<16xi32>
        %parallel_loop3A_623 = arith.constant 0 : i32
        %parallel_loop3A_624 = vector.broadcast %parallel_loop3A_623 : i32 to vector<16xi32>
        %parallel_loop3A_625 = arith.cmpi slt, %parallel_loop3A_622, %parallel_loop3A_624 : vector<16xi32>
        %parallel_loop3A_626 = arith.constant 16 : i32
        %parallel_loop3A_627 = vector.broadcast %parallel_loop3A_626 : i32 to vector<16xi32>
        %parallel_loop3A_628 = arith.addi %parallel_loop3A_622, %parallel_loop3A_627 : vector<16xi32>
        %parallel_loop3A_629 = arith.select %parallel_loop3A_625, %parallel_loop3A_628, %parallel_loop3A_622 : vector<16xi1>, vector<16xi32>
        %parallel_loop3A_630 = vector.shape_cast %parallel_loop3A_629 : vector<16xi32> to vector<16x1xi32>
        %parallel_loop3A_631 = vector.shape_cast %parallel_loop3A_630 : vector<16x1xi32> to vector<16xi32>
        %parallel_loop3A_632 = tpu.dynamic_gather %parallel_loop3A_561[%parallel_loop3A_631] in [0] : vector<16xf32>, vector<16xi32> -> vector<16xf32>
        %parallel_loop3A_633 = arith.addf %parallel_loop3A_619, %parallel_loop3A_632 : vector<16xf32>
        %parallel_loop3A_634 = arith.constant 1 : i32
        %parallel_loop3A_635 = arith.index_cast %parallel_loop3A_523 : i32 to index
        %parallel_loop3A_636 = arith.index_cast %parallel_loop3A_547 : i32 to index
        %parallel_loop3A_637 = arith.index_cast %parallel_loop3A_634 : i32 to index
        %parallel_loop3A_638 = arith.index_cast %parallel_loop3A_577 : i32 to index
        %parallel_loop3A_639 = tpu.vector_load %arg8[%parallel_loop3A_635, %parallel_loop3A_636, %parallel_loop3A_637, %parallel_loop3A_638] {strides = array<i32>} : memref<8x4x8x128xf32, #tpu.memory_space<vmem>>, vector<16xf32>,
        tpu.vector_store %arg8[%parallel_loop3A_635, %parallel_loop3A_636, %parallel_loop3A_637, %parallel_loop3A_638], %parallel_loop3A_633 {strides = array<i32>} : memref<8x4x8x128xf32, #tpu.memory_space<vmem>>, vector<16xf32>,
        %parallel_loop3A_640 = arith.constant 0 : i32
        %parallel_loop3A_641 = vector.broadcast %parallel_loop3A_640 : i32 to vector<16xi32>
        %parallel_loop3A_642 = arith.constant 2 : i32
        %parallel_loop3A_643 = arith.addi %parallel_loop3A_575, %parallel_loop3A_642 : i32
        %parallel_loop3A_644 = vector.broadcast %parallel_loop3A_643 : i32 to vector<16xi32>
        %parallel_loop3A_645 = arith.addi %parallel_loop3A_641, %parallel_loop3A_644 : vector<16xi32>
        %parallel_loop3A_646 = arith.constant 0 : i32
        %parallel_loop3A_647 = arith.constant 0 : i32
        %parallel_loop3A_648 = tpu.memref_slice %arg7[%rem3A_262, %parallel_loop3A_646, %parallel_loop3A_647] : memref<2x1024x40xf32, #tpu.memory_space<vmem>> -> memref<1x1024x40xf32, #tpu.memory_space<vmem>>
        %parallel_loop3A_649 = tpu.memref_squeeze %parallel_loop3A_648 : memref<1x1024x40xf32, #tpu.memory_space<vmem>> -> memref<1024x40xf32, #tpu.memory_space<vmem>>
        %parallel_loop3A_650 = tpu.vector_load_idx %parallel_loop3A_649[%iota3A, %parallel_loop3A_645] : memref<1024x40xf32, #tpu.memory_space<vmem>>[vector<16xi32>, vector<16xi32>], vector<16xf32>,
        %parallel_loop3A_651 = arith.constant 2 : i32
        %parallel_loop3A_652 = vector.broadcast %parallel_loop3A_651 : i32 to vector<16xi32>
        %parallel_loop3A_653 = arith.addi %parallel_loop3A_567, %parallel_loop3A_652 : vector<16xi32>
        %parallel_loop3A_654 = arith.constant 0 : i32
        %parallel_loop3A_655 = vector.broadcast %parallel_loop3A_654 : i32 to vector<16xi32>
        %parallel_loop3A_656 = arith.cmpi slt, %parallel_loop3A_653, %parallel_loop3A_655 : vector<16xi32>
        %parallel_loop3A_657 = arith.constant 16 : i32
        %parallel_loop3A_658 = vector.broadcast %parallel_loop3A_657 : i32 to vector<16xi32>
        %parallel_loop3A_659 = arith.addi %parallel_loop3A_653, %parallel_loop3A_658 : vector<16xi32>
        %parallel_loop3A_660 = arith.select %parallel_loop3A_656, %parallel_loop3A_659, %parallel_loop3A_653 : vector<16xi1>, vector<16xi32>
        %parallel_loop3A_661 = vector.shape_cast %parallel_loop3A_660 : vector<16xi32> to vector<16x1xi32>
        %parallel_loop3A_662 = vector.shape_cast %parallel_loop3A_661 : vector<16x1xi32> to vector<16xi32>
        %parallel_loop3A_663 = tpu.dynamic_gather %parallel_loop3A_561[%parallel_loop3A_662] in [0] : vector<16xf32>, vector<16xi32> -> vector<16xf32>
        %parallel_loop3A_664 = arith.addf %parallel_loop3A_650, %parallel_loop3A_663 : vector<16xf32>
        %parallel_loop3A_665 = arith.constant 2 : i32
        %parallel_loop3A_666 = arith.index_cast %parallel_loop3A_523 : i32 to index
        %parallel_loop3A_667 = arith.index_cast %parallel_loop3A_547 : i32 to index
        %parallel_loop3A_668 = arith.index_cast %parallel_loop3A_665 : i32 to index
        %parallel_loop3A_669 = arith.index_cast %parallel_loop3A_577 : i32 to index
        %parallel_loop3A_670 = tpu.vector_load %arg8[%parallel_loop3A_666, %parallel_loop3A_667, %parallel_loop3A_668, %parallel_loop3A_669] {strides = array<i32>} : memref<8x4x8x128xf32, #tpu.memory_space<vmem>>, vector<16xf32>,
        tpu.vector_store %arg8[%parallel_loop3A_666, %parallel_loop3A_667, %parallel_loop3A_668, %parallel_loop3A_669], %parallel_loop3A_664 {strides = array<i32>} : memref<8x4x8x128xf32, #tpu.memory_space<vmem>>, vector<16xf32>,
        %parallel_loop3A_671 = arith.constant 0 : i32
        %parallel_loop3A_672 = vector.broadcast %parallel_loop3A_671 : i32 to vector<16xi32>
        %parallel_loop3A_673 = arith.constant 3 : i32
        %parallel_loop3A_674 = arith.addi %parallel_loop3A_575, %parallel_loop3A_673 : i32
        %parallel_loop3A_675 = vector.broadcast %parallel_loop3A_674 : i32 to vector<16xi32>
        %parallel_loop3A_676 = arith.addi %parallel_loop3A_672, %parallel_loop3A_675 : vector<16xi32>
        %parallel_loop3A_677 = arith.constant 0 : i32
        %parallel_loop3A_678 = arith.constant 0 : i32
        %parallel_loop3A_679 = tpu.memref_slice %arg7[%rem3A_262, %parallel_loop3A_677, %parallel_loop3A_678] : memref<2x1024x40xf32, #tpu.memory_space<vmem>> -> memref<1x1024x40xf32, #tpu.memory_space<vmem>>
        %parallel_loop3A_680 = tpu.memref_squeeze %parallel_loop3A_679 : memref<1x1024x40xf32, #tpu.memory_space<vmem>> -> memref<1024x40xf32, #tpu.memory_space<vmem>>
        %parallel_loop3A_681 = tpu.vector_load_idx %parallel_loop3A_680[%iota3A, %parallel_loop3A_676] : memref<1024x40xf32, #tpu.memory_space<vmem>>[vector<16xi32>, vector<16xi32>], vector<16xf32>,
        %parallel_loop3A_682 = arith.constant 3 : i32
        %parallel_loop3A_683 = vector.broadcast %parallel_loop3A_682 : i32 to vector<16xi32>
        %parallel_loop3A_684 = arith.addi %parallel_loop3A_567, %parallel_loop3A_683 : vector<16xi32>
        %parallel_loop3A_685 = arith.constant 0 : i32
        %parallel_loop3A_686 = vector.broadcast %parallel_loop3A_685 : i32 to vector<16xi32>
        %parallel_loop3A_687 = arith.cmpi slt, %parallel_loop3A_684, %parallel_loop3A_686 : vector<16xi32>
        %parallel_loop3A_688 = arith.constant 16 : i32
        %parallel_loop3A_689 = vector.broadcast %parallel_loop3A_688 : i32 to vector<16xi32>
        %parallel_loop3A_690 = arith.addi %parallel_loop3A_684, %parallel_loop3A_689 : vector<16xi32>
        %parallel_loop3A_691 = arith.select %parallel_loop3A_687, %parallel_loop3A_690, %parallel_loop3A_684 : vector<16xi1>, vector<16xi32>
        %parallel_loop3A_692 = vector.shape_cast %parallel_loop3A_691 : vector<16xi32> to vector<16x1xi32>
        %parallel_loop3A_693 = vector.shape_cast %parallel_loop3A_692 : vector<16x1xi32> to vector<16xi32>
        %parallel_loop3A_694 = tpu.dynamic_gather %parallel_loop3A_561[%parallel_loop3A_693] in [0] : vector<16xf32>, vector<16xi32> -> vector<16xf32>
        %parallel_loop3A_695 = arith.addf %parallel_loop3A_681, %parallel_loop3A_694 : vector<16xf32>
        %parallel_loop3A_696 = arith.constant 3 : i32
        %parallel_loop3A_697 = arith.index_cast %parallel_loop3A_523 : i32 to index
        %parallel_loop3A_698 = arith.index_cast %parallel_loop3A_547 : i32 to index
        %parallel_loop3A_699 = arith.index_cast %parallel_loop3A_696 : i32 to index
        %parallel_loop3A_700 = arith.index_cast %parallel_loop3A_577 : i32 to index
        %parallel_loop3A_701 = tpu.vector_load %arg8[%parallel_loop3A_697, %parallel_loop3A_698, %parallel_loop3A_699, %parallel_loop3A_700] {strides = array<i32>} : memref<8x4x8x128xf32, #tpu.memory_space<vmem>>, vector<16xf32>,
        tpu.vector_store %arg8[%parallel_loop3A_697, %parallel_loop3A_698, %parallel_loop3A_699, %parallel_loop3A_700], %parallel_loop3A_695 {strides = array<i32>} : memref<8x4x8x128xf32, #tpu.memory_space<vmem>>, vector<16xf32>,
        %parallel_loop3A_702 = arith.constant 0 : i32
        %parallel_loop3A_703 = vector.broadcast %parallel_loop3A_702 : i32 to vector<16xi32>
        %parallel_loop3A_704 = arith.constant 4 : i32
        %parallel_loop3A_705 = arith.addi %parallel_loop3A_575, %parallel_loop3A_704 : i32
        %parallel_loop3A_706 = vector.broadcast %parallel_loop3A_705 : i32 to vector<16xi32>
        %parallel_loop3A_707 = arith.addi %parallel_loop3A_703, %parallel_loop3A_706 : vector<16xi32>
        %parallel_loop3A_708 = arith.constant 0 : i32
        %parallel_loop3A_709 = arith.constant 0 : i32
        %parallel_loop3A_710 = tpu.memref_slice %arg7[%rem3A_262, %parallel_loop3A_708, %parallel_loop3A_709] : memref<2x1024x40xf32, #tpu.memory_space<vmem>> -> memref<1x1024x40xf32, #tpu.memory_space<vmem>>
        %parallel_loop3A_711 = tpu.memref_squeeze %parallel_loop3A_710 : memref<1x1024x40xf32, #tpu.memory_space<vmem>> -> memref<1024x40xf32, #tpu.memory_space<vmem>>
        %parallel_loop3A_712 = tpu.vector_load_idx %parallel_loop3A_711[%iota3A, %parallel_loop3A_707] : memref<1024x40xf32, #tpu.memory_space<vmem>>[vector<16xi32>, vector<16xi32>], vector<16xf32>,
        %parallel_loop3A_713 = arith.constant 4 : i32
        %parallel_loop3A_714 = vector.broadcast %parallel_loop3A_713 : i32 to vector<16xi32>
        %parallel_loop3A_715 = arith.addi %parallel_loop3A_567, %parallel_loop3A_714 : vector<16xi32>
        %parallel_loop3A_716 = arith.constant 0 : i32
        %parallel_loop3A_717 = vector.broadcast %parallel_loop3A_716 : i32 to vector<16xi32>
        %parallel_loop3A_718 = arith.cmpi slt, %parallel_loop3A_715, %parallel_loop3A_717 : vector<16xi32>
        %parallel_loop3A_719 = arith.constant 16 : i32
        %parallel_loop3A_720 = vector.broadcast %parallel_loop3A_719 : i32 to vector<16xi32>
        %parallel_loop3A_721 = arith.addi %parallel_loop3A_715, %parallel_loop3A_720 : vector<16xi32>
        %parallel_loop3A_722 = arith.select %parallel_loop3A_718, %parallel_loop3A_721, %parallel_loop3A_715 : vector<16xi1>, vector<16xi32>
        %parallel_loop3A_723 = vector.shape_cast %parallel_loop3A_722 : vector<16xi32> to vector<16x1xi32>
        %parallel_loop3A_724 = vector.shape_cast %parallel_loop3A_723 : vector<16x1xi32> to vector<16xi32>
        %parallel_loop3A_725 = tpu.dynamic_gather %parallel_loop3A_561[%parallel_loop3A_724] in [0] : vector<16xf32>, vector<16xi32> -> vector<16xf32>
        %parallel_loop3A_726 = arith.addf %parallel_loop3A_712, %parallel_loop3A_725 : vector<16xf32>
        %parallel_loop3A_727 = arith.constant 4 : i32
        %parallel_loop3A_728 = arith.index_cast %parallel_loop3A_523 : i32 to index
        %parallel_loop3A_729 = arith.index_cast %parallel_loop3A_547 : i32 to index
        %parallel_loop3A_730 = arith.index_cast %parallel_loop3A_727 : i32 to index
        %parallel_loop3A_731 = arith.index_cast %parallel_loop3A_577 : i32 to index
        %parallel_loop3A_732 = tpu.vector_load %arg8[%parallel_loop3A_728, %parallel_loop3A_729, %parallel_loop3A_730, %parallel_loop3A_731] {strides = array<i32>} : memref<8x4x8x128xf32, #tpu.memory_space<vmem>>, vector<16xf32>,
        tpu.vector_store %arg8[%parallel_loop3A_728, %parallel_loop3A_729, %parallel_loop3A_730, %parallel_loop3A_731], %parallel_loop3A_726 {strides = array<i32>} : memref<8x4x8x128xf32, #tpu.memory_space<vmem>>, vector<16xf32>,
        %parallel_loop3A_733 = arith.constant 0 : i32
        %parallel_loop3A_734 = vector.broadcast %parallel_loop3A_733 : i32 to vector<16xi32>
        %parallel_loop3A_735 = arith.constant 5 : i32
        %parallel_loop3A_736 = arith.addi %parallel_loop3A_575, %parallel_loop3A_735 : i32
        %parallel_loop3A_737 = vector.broadcast %parallel_loop3A_736 : i32 to vector<16xi32>
        %parallel_loop3A_738 = arith.addi %parallel_loop3A_734, %parallel_loop3A_737 : vector<16xi32>
        %parallel_loop3A_739 = arith.constant 0 : i32
        %parallel_loop3A_740 = arith.constant 0 : i32
        %parallel_loop3A_741 = tpu.memref_slice %arg7[%rem3A_262, %parallel_loop3A_739, %parallel_loop3A_740] : memref<2x1024x40xf32, #tpu.memory_space<vmem>> -> memref<1x1024x40xf32, #tpu.memory_space<vmem>>
        %parallel_loop3A_742 = tpu.memref_squeeze %parallel_loop3A_741 : memref<1x1024x40xf32, #tpu.memory_space<vmem>> -> memref<1024x40xf32, #tpu.memory_space<vmem>>
        %parallel_loop3A_743 = tpu.vector_load_idx %parallel_loop3A_742[%iota3A, %parallel_loop3A_738] : memref<1024x40xf32, #tpu.memory_space<vmem>>[vector<16xi32>, vector<16xi32>], vector<16xf32>,
        %parallel_loop3A_744 = arith.constant 5 : i32
        %parallel_loop3A_745 = vector.broadcast %parallel_loop3A_744 : i32 to vector<16xi32>
        %parallel_loop3A_746 = arith.addi %parallel_loop3A_567, %parallel_loop3A_745 : vector<16xi32>
        %parallel_loop3A_747 = arith.constant 0 : i32
        %parallel_loop3A_748 = vector.broadcast %parallel_loop3A_747 : i32 to vector<16xi32>
        %parallel_loop3A_749 = arith.cmpi slt, %parallel_loop3A_746, %parallel_loop3A_748 : vector<16xi32>
        %parallel_loop3A_750 = arith.constant 16 : i32
        %parallel_loop3A_751 = vector.broadcast %parallel_loop3A_750 : i32 to vector<16xi32>
        %parallel_loop3A_752 = arith.addi %parallel_loop3A_746, %parallel_loop3A_751 : vector<16xi32>
        %parallel_loop3A_753 = arith.select %parallel_loop3A_749, %parallel_loop3A_752, %parallel_loop3A_746 : vector<16xi1>, vector<16xi32>
        %parallel_loop3A_754 = vector.shape_cast %parallel_loop3A_753 : vector<16xi32> to vector<16x1xi32>
        %parallel_loop3A_755 = vector.shape_cast %parallel_loop3A_754 : vector<16x1xi32> to vector<16xi32>
        %parallel_loop3A_756 = tpu.dynamic_gather %parallel_loop3A_561[%parallel_loop3A_755] in [0] : vector<16xf32>, vector<16xi32> -> vector<16xf32>
        %parallel_loop3A_757 = arith.addf %parallel_loop3A_743, %parallel_loop3A_756 : vector<16xf32>
        %parallel_loop3A_758 = arith.constant 5 : i32
        %parallel_loop3A_759 = arith.index_cast %parallel_loop3A_523 : i32 to index
        %parallel_loop3A_760 = arith.index_cast %parallel_loop3A_547 : i32 to index
        %parallel_loop3A_761 = arith.index_cast %parallel_loop3A_758 : i32 to index
        %parallel_loop3A_762 = arith.index_cast %parallel_loop3A_577 : i32 to index
        %parallel_loop3A_763 = tpu.vector_load %arg8[%parallel_loop3A_759, %parallel_loop3A_760, %parallel_loop3A_761, %parallel_loop3A_762] {strides = array<i32>} : memref<8x4x8x128xf32, #tpu.memory_space<vmem>>, vector<16xf32>,
        tpu.vector_store %arg8[%parallel_loop3A_759, %parallel_loop3A_760, %parallel_loop3A_761, %parallel_loop3A_762], %parallel_loop3A_757 {strides = array<i32>} : memref<8x4x8x128xf32, #tpu.memory_space<vmem>>, vector<16xf32>,
        %parallel_loop3A_764 = arith.constant 0 : i32
        %parallel_loop3A_765 = vector.broadcast %parallel_loop3A_764 : i32 to vector<16xi32>
        %parallel_loop3A_766 = arith.constant 6 : i32
        %parallel_loop3A_767 = arith.addi %parallel_loop3A_575, %parallel_loop3A_766 : i32
        %parallel_loop3A_768 = vector.broadcast %parallel_loop3A_767 : i32 to vector<16xi32>
        %parallel_loop3A_769 = arith.addi %parallel_loop3A_765, %parallel_loop3A_768 : vector<16xi32>
        %parallel_loop3A_770 = arith.constant 0 : i32
        %parallel_loop3A_771 = arith.constant 0 : i32
        %parallel_loop3A_772 = tpu.memref_slice %arg7[%rem3A_262, %parallel_loop3A_770, %parallel_loop3A_771] : memref<2x1024x40xf32, #tpu.memory_space<vmem>> -> memref<1x1024x40xf32, #tpu.memory_space<vmem>>
        %parallel_loop3A_773 = tpu.memref_squeeze %parallel_loop3A_772 : memref<1x1024x40xf32, #tpu.memory_space<vmem>> -> memref<1024x40xf32, #tpu.memory_space<vmem>>
        %parallel_loop3A_774 = tpu.vector_load_idx %parallel_loop3A_773[%iota3A, %parallel_loop3A_769] : memref<1024x40xf32, #tpu.memory_space<vmem>>[vector<16xi32>, vector<16xi32>], vector<16xf32>,
        %parallel_loop3A_775 = arith.constant 6 : i32
        %parallel_loop3A_776 = vector.broadcast %parallel_loop3A_775 : i32 to vector<16xi32>
        %parallel_loop3A_777 = arith.addi %parallel_loop3A_567, %parallel_loop3A_776 : vector<16xi32>
        %parallel_loop3A_778 = arith.constant 0 : i32
        %parallel_loop3A_779 = vector.broadcast %parallel_loop3A_778 : i32 to vector<16xi32>
        %parallel_loop3A_780 = arith.cmpi slt, %parallel_loop3A_777, %parallel_loop3A_779 : vector<16xi32>
        %parallel_loop3A_781 = arith.constant 16 : i32
        %parallel_loop3A_782 = vector.broadcast %parallel_loop3A_781 : i32 to vector<16xi32>
        %parallel_loop3A_783 = arith.addi %parallel_loop3A_777, %parallel_loop3A_782 : vector<16xi32>
        %parallel_loop3A_784 = arith.select %parallel_loop3A_780, %parallel_loop3A_783, %parallel_loop3A_777 : vector<16xi1>, vector<16xi32>
        %parallel_loop3A_785 = vector.shape_cast %parallel_loop3A_784 : vector<16xi32> to vector<16x1xi32>
        %parallel_loop3A_786 = vector.shape_cast %parallel_loop3A_785 : vector<16x1xi32> to vector<16xi32>
        %parallel_loop3A_787 = tpu.dynamic_gather %parallel_loop3A_561[%parallel_loop3A_786] in [0] : vector<16xf32>, vector<16xi32> -> vector<16xf32>
        %parallel_loop3A_788 = arith.addf %parallel_loop3A_774, %parallel_loop3A_787 : vector<16xf32>
        %parallel_loop3A_789 = arith.constant 6 : i32
        %parallel_loop3A_790 = arith.index_cast %parallel_loop3A_523 : i32 to index
        %parallel_loop3A_791 = arith.index_cast %parallel_loop3A_547 : i32 to index
        %parallel_loop3A_792 = arith.index_cast %parallel_loop3A_789 : i32 to index
        %parallel_loop3A_793 = arith.index_cast %parallel_loop3A_577 : i32 to index
        %parallel_loop3A_794 = tpu.vector_load %arg8[%parallel_loop3A_790, %parallel_loop3A_791, %parallel_loop3A_792, %parallel_loop3A_793] {strides = array<i32>} : memref<8x4x8x128xf32, #tpu.memory_space<vmem>>, vector<16xf32>,
        tpu.vector_store %arg8[%parallel_loop3A_790, %parallel_loop3A_791, %parallel_loop3A_792, %parallel_loop3A_793], %parallel_loop3A_788 {strides = array<i32>} : memref<8x4x8x128xf32, #tpu.memory_space<vmem>>, vector<16xf32>,
        %parallel_loop3A_795 = arith.constant 0 : i32
        %parallel_loop3A_796 = vector.broadcast %parallel_loop3A_795 : i32 to vector<16xi32>
        %parallel_loop3A_797 = arith.constant 7 : i32
        %parallel_loop3A_798 = arith.addi %parallel_loop3A_575, %parallel_loop3A_797 : i32
        %parallel_loop3A_799 = vector.broadcast %parallel_loop3A_798 : i32 to vector<16xi32>
        %parallel_loop3A_800 = arith.addi %parallel_loop3A_796, %parallel_loop3A_799 : vector<16xi32>
        %parallel_loop3A_801 = arith.constant 0 : i32
        %parallel_loop3A_802 = arith.constant 0 : i32
        %parallel_loop3A_803 = tpu.memref_slice %arg7[%rem3A_262, %parallel_loop3A_801, %parallel_loop3A_802] : memref<2x1024x40xf32, #tpu.memory_space<vmem>> -> memref<1x1024x40xf32, #tpu.memory_space<vmem>>
        %parallel_loop3A_804 = tpu.memref_squeeze %parallel_loop3A_803 : memref<1x1024x40xf32, #tpu.memory_space<vmem>> -> memref<1024x40xf32, #tpu.memory_space<vmem>>
        %parallel_loop3A_805 = tpu.vector_load_idx %parallel_loop3A_804[%iota3A, %parallel_loop3A_800] : memref<1024x40xf32, #tpu.memory_space<vmem>>[vector<16xi32>, vector<16xi32>], vector<16xf32>,
        %parallel_loop3A_806 = arith.constant 7 : i32
        %parallel_loop3A_807 = vector.broadcast %parallel_loop3A_806 : i32 to vector<16xi32>
        %parallel_loop3A_808 = arith.addi %parallel_loop3A_567, %parallel_loop3A_807 : vector<16xi32>
        %parallel_loop3A_809 = arith.constant 0 : i32
        %parallel_loop3A_810 = vector.broadcast %parallel_loop3A_809 : i32 to vector<16xi32>
        %parallel_loop3A_811 = arith.cmpi slt, %parallel_loop3A_808, %parallel_loop3A_810 : vector<16xi32>
        %parallel_loop3A_812 = arith.constant 16 : i32
        %parallel_loop3A_813 = vector.broadcast %parallel_loop3A_812 : i32 to vector<16xi32>
        %parallel_loop3A_814 = arith.addi %parallel_loop3A_808, %parallel_loop3A_813 : vector<16xi32>
        %parallel_loop3A_815 = arith.select %parallel_loop3A_811, %parallel_loop3A_814, %parallel_loop3A_808 : vector<16xi1>, vector<16xi32>
        %parallel_loop3A_816 = vector.shape_cast %parallel_loop3A_815 : vector<16xi32> to vector<16x1xi32>
        %parallel_loop3A_817 = vector.shape_cast %parallel_loop3A_816 : vector<16x1xi32> to vector<16xi32>
        %parallel_loop3A_818 = tpu.dynamic_gather %parallel_loop3A_561[%parallel_loop3A_817] in [0] : vector<16xf32>, vector<16xi32> -> vector<16xf32>
        %parallel_loop3A_819 = arith.addf %parallel_loop3A_805, %parallel_loop3A_818 : vector<16xf32>
        %parallel_loop3A_820 = arith.constant 7 : i32
        %parallel_loop3A_821 = arith.index_cast %parallel_loop3A_523 : i32 to index
        %parallel_loop3A_822 = arith.index_cast %parallel_loop3A_547 : i32 to index
        %parallel_loop3A_823 = arith.index_cast %parallel_loop3A_820 : i32 to index
        %parallel_loop3A_824 = arith.index_cast %parallel_loop3A_577 : i32 to index
        %parallel_loop3A_825 = tpu.vector_load %arg8[%parallel_loop3A_821, %parallel_loop3A_822, %parallel_loop3A_823, %parallel_loop3A_824] {strides = array<i32>} : memref<8x4x8x128xf32, #tpu.memory_space<vmem>>, vector<16xf32>,
        tpu.vector_store %arg8[%parallel_loop3A_821, %parallel_loop3A_822, %parallel_loop3A_823, %parallel_loop3A_824], %parallel_loop3A_819 {strides = array<i32>} : memref<8x4x8x128xf32, #tpu.memory_space<vmem>>, vector<16xf32>,
      } {sc.loop_unroll_factor = 2 : i64, sc.parallel_access}
      %mul3A_483 = arith.constant 8 : i32
      %mul3A_484 = arith.muli %mul3A_483, %scan3A_261 : i32
      %dma_start3A_485 = arith.constant 0 : i32
      %dma_start3A_486 = arith.constant 0 : i32
      %dma_start3A_487 = arith.constant 0 : i32
      %dma_start3A_488 = tpu.memref_slice %arg5[%mul3A_484, %dma_start3A_485, %add3A, %dma_start3A_486, %dma_start3A_487] : memref<200x4x32x8x128xf32, #tpu.memory_space<hbm>> -> memref<8x4x1x8x128xf32, #tpu.memory_space<hbm>>
      %dma_start3A_489 = tpu.memref_squeeze %dma_start3A_488 : memref<8x4x1x8x128xf32, #tpu.memory_space<hbm>> -> memref<8x4x8x128xf32, #tpu.memory_space<hbm>>
      %dma_start3A_490 = arith.constant 0 : i32
      %dma_start3A_491 = arith.constant 0 : i32
      %dma_start3A_492 = arith.constant 0 : i32
      %dma_start3A_493 = tpu.memref_slice %arg5[%mul3A_484, %dma_start3A_490, %add3A, %dma_start3A_491, %dma_start3A_492] : memref<200x4x32x8x128xf32, #tpu.memory_space<hbm>> -> memref<8x4x1x8x128xf32, #tpu.memory_space<hbm>>
      %dma_start3A_494 = tpu.memref_squeeze %dma_start3A_493 : memref<8x4x1x8x128xf32, #tpu.memory_space<hbm>> -> memref<8x4x8x128xf32, #tpu.memory_space<hbm>>
      tpu.enqueue_dma source(%arg8 : memref<8x4x8x128xf32, #tpu.memory_space<vmem>>) target(%dma_start3A_494 : memref<8x4x8x128xf32, #tpu.memory_space<hbm>>) target_semaphore(%arg12 : memref<!tpu.dma_semaphore, #tpu.memory_space<semaphore_mem>>)
    }
    %scan3A_127 = arith.constant 25 : i32
    %dma_wait3A = arith.constant 192 : i32
    %dma_wait3A_128 = arith.constant 0 : i32
    %dma_wait3A_129 = arith.constant 0 : i32
    %dma_wait3A_130 = arith.constant 0 : i32
    %dma_wait3A_131 = tpu.memref_slice %arg5[%dma_wait3A, %dma_wait3A_128, %add3A, %dma_wait3A_129, %dma_wait3A_130] : memref<200x4x32x8x128xf32, #tpu.memory_space<hbm>> -> memref<8x4x1x8x128xf32, #tpu.memory_space<hbm>>
    %dma_wait3A_132 = tpu.memref_squeeze %dma_wait3A_131 : memref<8x4x1x8x128xf32, #tpu.memory_space<hbm>> -> memref<8x4x8x128xf32, #tpu.memory_space<hbm>>
    %dma_wait3A_133 = arith.constant 192 : i32
    %dma_wait3A_134 = arith.constant 0 : i32
    %dma_wait3A_135 = arith.constant 0 : i32
    %dma_wait3A_136 = arith.constant 0 : i32
    %dma_wait3A_137 = tpu.memref_slice %arg5[%dma_wait3A_133, %dma_wait3A_134, %add3A, %dma_wait3A_135, %dma_wait3A_136] : memref<200x4x32x8x128xf32, #tpu.memory_space<hbm>> -> memref<8x4x1x8x128xf32, #tpu.memory_space<hbm>>
    %dma_wait3A_138 = tpu.memref_squeeze %dma_wait3A_137 : memref<8x4x1x8x128xf32, #tpu.memory_space<hbm>> -> memref<8x4x8x128xf32, #tpu.memory_space<hbm>>
    tpu.wait_dma2 semaphore(%arg12 : memref<!tpu.dma_semaphore, #tpu.memory_space<semaphore_mem>>) src(%arg8 : memref<8x4x8x128xf32, #tpu.memory_space<vmem>>) dst(%dma_wait3A_138 : memref<8x4x8x128xf32, #tpu.memory_space<hbm>>)
    %dma_wait3A_139 = arith.constant 24 : i32
    %dma_wait3A_140 = arith.constant 1 : i32
    %dma_wait3A_141 = arith.constant 0 : i32
    %dma_wait3A_142 = arith.constant 0 : i32
    %dma_wait3A_143 = tpu.memref_slice %arg6[%dma_wait3A_140, %dma_wait3A_141, %dma_wait3A_142] : memref<2x8x128xi32, #tpu.memory_space<vmem>> -> memref<1x8x128xi32, #tpu.memory_space<vmem>>
    %dma_wait3A_144 = tpu.memref_squeeze %dma_wait3A_143 : memref<1x8x128xi32, #tpu.memory_space<vmem>> -> memref<8x128xi32, #tpu.memory_space<vmem>>
    %dma_wait3A_145 = arith.constant 0 : i32
    %dma_wait3A_146 = arith.constant 0 : i32
    %dma_wait3A_147 = tpu.memref_slice %arg2[%dma_wait3A_139, %add3A, %dma_wait3A_145, %dma_wait3A_146] : memref<25x32x8x128xi32, #tpu.memory_space<hbm>> -> memref<1x1x8x128xi32, #tpu.memory_space<hbm>>
    %dma_wait3A_148 = tpu.memref_squeeze %dma_wait3A_147 : memref<1x1x8x128xi32, #tpu.memory_space<hbm>> -> memref<8x128xi32, #tpu.memory_space<hbm>>
    %dma_wait3A_149 = arith.constant 0 : i32
    %dma_wait3A_150 = arith.constant 0 : i32
    %dma_wait3A_151 = tpu.memref_slice %arg6[%dma_wait3A_140, %dma_wait3A_149, %dma_wait3A_150] : memref<2x8x128xi32, #tpu.memory_space<vmem>> -> memref<1x8x128xi32, #tpu.memory_space<vmem>>
    %dma_wait3A_152 = tpu.memref_squeeze %dma_wait3A_151 : memref<1x8x128xi32, #tpu.memory_space<vmem>> -> memref<8x128xi32, #tpu.memory_space<vmem>>
    %dma_wait3A_153 = arith.constant 0 : i32
    %dma_wait3A_154 = arith.constant 0 : i32
    %dma_wait3A_155 = tpu.memref_slice %arg2[%dma_wait3A_139, %add3A, %dma_wait3A_153, %dma_wait3A_154] : memref<25x32x8x128xi32, #tpu.memory_space<hbm>> -> memref<1x1x8x128xi32, #tpu.memory_space<hbm>>
    %dma_wait3A_156 = tpu.memref_squeeze %dma_wait3A_155 : memref<1x1x8x128xi32, #tpu.memory_space<hbm>> -> memref<8x128xi32, #tpu.memory_space<hbm>>
    tpu.wait_dma2 semaphore(%arg10 : memref<!tpu.dma_semaphore, #tpu.memory_space<semaphore_mem>>) src(%dma_wait3A_156 : memref<8x128xi32, #tpu.memory_space<hbm>>) dst(%dma_wait3A_152 : memref<8x128xi32, #tpu.memory_space<vmem>>)
    %dma_wait3A_157 = arith.constant 1 : i32
    %dma_wait3A_158 = arith.constant 0 : i32
    %dma_wait3A_159 = arith.constant 1 : i32
    %dma_wait3A_160 = arith.constant 0 : i32
    %dma_wait3A_161 = arith.constant 0 : i32
    %dma_wait3A_162 = tpu.memref_slice %arg7[%dma_wait3A_159, %dma_wait3A_160, %dma_wait3A_161] : memref<2x1024x40xf32, #tpu.memory_space<vmem>> -> memref<1x128x40xf32, #tpu.memory_space<vmem>>
    %dma_wait3A_163 = tpu.memref_squeeze %dma_wait3A_162 : memref<1x128x40xf32, #tpu.memory_space<vmem>> -> memref<128x40xf32, #tpu.memory_space<vmem>>
    %dma_wait3A_164 = arith.constant 0 : i32
    %dma_wait3A_165 = tpu.memref_slice %arg6[%dma_wait3A_157, %dma_wait3A_158, %dma_wait3A_164] : memref<2x8x128xi32, #tpu.memory_space<vmem>> -> memref<1x1x128xi32, #tpu.memory_space<vmem>>
    %dma_wait3A_166 = tpu.memref_squeeze %dma_wait3A_165 : memref<1x1x128xi32, #tpu.memory_space<vmem>> -> memref<128xi32, #tpu.memory_space<vmem>>
    %dma_wait3A_167 = arith.constant 0 : i32
    %dma_wait3A_168 = arith.constant 0 : i32
    %dma_wait3A_169 = tpu.memref_slice %arg3[%dma_wait3A_167, %dma_wait3A_168] : memref<1000x40xf32, #tpu.memory_space<hbm>> -> memref<1000x40xf32, #tpu.memory_space<hbm>>
    tpu.wait_indirect_dma semaphore(%arg11 : memref<!tpu.dma_semaphore, #tpu.memory_space<semaphore_mem>>) src(%dma_wait3A_169 : memref<1000x40xf32, #tpu.memory_space<hbm>>) dst(%dma_wait3A_163 : memref<128x40xf32, #tpu.memory_space<vmem>>)
    %dma_wait3A_170 = arith.constant 1 : i32
    %dma_wait3A_171 = arith.constant 1 : i32
    %dma_wait3A_172 = arith.constant 1 : i32
    %dma_wait3A_173 = arith.constant 128 : i32
    %dma_wait3A_174 = arith.constant 0 : i32
    %dma_wait3A_175 = tpu.memref_slice %arg7[%dma_wait3A_172, %dma_wait3A_173, %dma_wait3A_174] : memref<2x1024x40xf32, #tpu.memory_space<vmem>> -> memref<1x128x40xf32, #tpu.memory_space<vmem>>
    %dma_wait3A_176 = tpu.memref_squeeze %dma_wait3A_175 : memref<1x128x40xf32, #tpu.memory_space<vmem>> -> memref<128x40xf32, #tpu.memory_space<vmem>>
    %dma_wait3A_177 = arith.constant 0 : i32
    %dma_wait3A_178 = tpu.memref_slice %arg6[%dma_wait3A_170, %dma_wait3A_171, %dma_wait3A_177] : memref<2x8x128xi32, #tpu.memory_space<vmem>> -> memref<1x1x128xi32, #tpu.memory_space<vmem>>
    %dma_wait3A_179 = tpu.memref_squeeze %dma_wait3A_178 : memref<1x1x128xi32, #tpu.memory_space<vmem>> -> memref<128xi32, #tpu.memory_space<vmem>>
    %dma_wait3A_180 = arith.constant 0 : i32
    %dma_wait3A_181 = arith.constant 0 : i32
    %dma_wait3A_182 = tpu.memref_slice %arg3[%dma_wait3A_180, %dma_wait3A_181] : memref<1000x40xf32, #tpu.memory_space<hbm>> -> memref<1000x40xf32, #tpu.memory_space<hbm>>
    tpu.wait_indirect_dma semaphore(%arg11 : memref<!tpu.dma_semaphore, #tpu.memory_space<semaphore_mem>>) src(%dma_wait3A_182 : memref<1000x40xf32, #tpu.memory_space<hbm>>) dst(%dma_wait3A_176 : memref<128x40xf32, #tpu.memory_space<vmem>>)
    %dma_wait3A_183 = arith.constant 1 : i32
    %dma_wait3A_184 = arith.constant 2 : i32
    %dma_wait3A_185 = arith.constant 1 : i32
    %dma_wait3A_186 = arith.constant 256 : i32
    %dma_wait3A_187 = arith.constant 0 : i32
    %dma_wait3A_188 = tpu.memref_slice %arg7[%dma_wait3A_185, %dma_wait3A_186, %dma_wait3A_187] : memref<2x1024x40xf32, #tpu.memory_space<vmem>> -> memref<1x128x40xf32, #tpu.memory_space<vmem>>
    %dma_wait3A_189 = tpu.memref_squeeze %dma_wait3A_188 : memref<1x128x40xf32, #tpu.memory_space<vmem>> -> memref<128x40xf32, #tpu.memory_space<vmem>>
    %dma_wait3A_190 = arith.constant 0 : i32
    %dma_wait3A_191 = tpu.memref_slice %arg6[%dma_wait3A_183, %dma_wait3A_184, %dma_wait3A_190] : memref<2x8x128xi32, #tpu.memory_space<vmem>> -> memref<1x1x128xi32, #tpu.memory_space<vmem>>
    %dma_wait3A_192 = tpu.memref_squeeze %dma_wait3A_191 : memref<1x1x128xi32, #tpu.memory_space<vmem>> -> memref<128xi32, #tpu.memory_space<vmem>>
    %dma_wait3A_193 = arith.constant 0 : i32
    %dma_wait3A_194 = arith.constant 0 : i32
    %dma_wait3A_195 = tpu.memref_slice %arg3[%dma_wait3A_193, %dma_wait3A_194] : memref<1000x40xf32, #tpu.memory_space<hbm>> -> memref<1000x40xf32, #tpu.memory_space<hbm>>
    tpu.wait_indirect_dma semaphore(%arg11 : memref<!tpu.dma_semaphore, #tpu.memory_space<semaphore_mem>>) src(%dma_wait3A_195 : memref<1000x40xf32, #tpu.memory_space<hbm>>) dst(%dma_wait3A_189 : memref<128x40xf32, #tpu.memory_space<vmem>>)
    %dma_wait3A_196 = arith.constant 1 : i32
    %dma_wait3A_197 = arith.constant 3 : i32
    %dma_wait3A_198 = arith.constant 1 : i32
    %dma_wait3A_199 = arith.constant 384 : i32
    %dma_wait3A_200 = arith.constant 0 : i32
    %dma_wait3A_201 = tpu.memref_slice %arg7[%dma_wait3A_198, %dma_wait3A_199, %dma_wait3A_200] : memref<2x1024x40xf32, #tpu.memory_space<vmem>> -> memref<1x128x40xf32, #tpu.memory_space<vmem>>
    %dma_wait3A_202 = tpu.memref_squeeze %dma_wait3A_201 : memref<1x128x40xf32, #tpu.memory_space<vmem>> -> memref<128x40xf32, #tpu.memory_space<vmem>>
    %dma_wait3A_203 = arith.constant 0 : i32
    %dma_wait3A_204 = tpu.memref_slice %arg6[%dma_wait3A_196, %dma_wait3A_197, %dma_wait3A_203] : memref<2x8x128xi32, #tpu.memory_space<vmem>> -> memref<1x1x128xi32, #tpu.memory_space<vmem>>
    %dma_wait3A_205 = tpu.memref_squeeze %dma_wait3A_204 : memref<1x1x128xi32, #tpu.memory_space<vmem>> -> memref<128xi32, #tpu.memory_space<vmem>>
    %dma_wait3A_206 = arith.constant 0 : i32
    %dma_wait3A_207 = arith.constant 0 : i32
    %dma_wait3A_208 = tpu.memref_slice %arg3[%dma_wait3A_206, %dma_wait3A_207] : memref<1000x40xf32, #tpu.memory_space<hbm>> -> memref<1000x40xf32, #tpu.memory_space<hbm>>
    tpu.wait_indirect_dma semaphore(%arg11 : memref<!tpu.dma_semaphore, #tpu.memory_space<semaphore_mem>>) src(%dma_wait3A_208 : memref<1000x40xf32, #tpu.memory_space<hbm>>) dst(%dma_wait3A_202 : memref<128x40xf32, #tpu.memory_space<vmem>>)
    %dma_wait3A_209 = arith.constant 1 : i32
    %dma_wait3A_210 = arith.constant 4 : i32
    %dma_wait3A_211 = arith.constant 1 : i32
    %dma_wait3A_212 = arith.constant 512 : i32
    %dma_wait3A_213 = arith.constant 0 : i32
    %dma_wait3A_214 = tpu.memref_slice %arg7[%dma_wait3A_211, %dma_wait3A_212, %dma_wait3A_213] : memref<2x1024x40xf32, #tpu.memory_space<vmem>> -> memref<1x128x40xf32, #tpu.memory_space<vmem>>
    %dma_wait3A_215 = tpu.memref_squeeze %dma_wait3A_214 : memref<1x128x40xf32, #tpu.memory_space<vmem>> -> memref<128x40xf32, #tpu.memory_space<vmem>>
    %dma_wait3A_216 = arith.constant 0 : i32
    %dma_wait3A_217 = tpu.memref_slice %arg6[%dma_wait3A_209, %dma_wait3A_210, %dma_wait3A_216] : memref<2x8x128xi32, #tpu.memory_space<vmem>> -> memref<1x1x128xi32, #tpu.memory_space<vmem>>
    %dma_wait3A_218 = tpu.memref_squeeze %dma_wait3A_217 : memref<1x1x128xi32, #tpu.memory_space<vmem>> -> memref<128xi32, #tpu.memory_space<vmem>>
    %dma_wait3A_219 = arith.constant 0 : i32
    %dma_wait3A_220 = arith.constant 0 : i32
    %dma_wait3A_221 = tpu.memref_slice %arg3[%dma_wait3A_219, %dma_wait3A_220] : memref<1000x40xf32, #tpu.memory_space<hbm>> -> memref<1000x40xf32, #tpu.memory_space<hbm>>
    tpu.wait_indirect_dma semaphore(%arg11 : memref<!tpu.dma_semaphore, #tpu.memory_space<semaphore_mem>>) src(%dma_wait3A_221 : memref<1000x40xf32, #tpu.memory_space<hbm>>) dst(%dma_wait3A_215 : memref<128x40xf32, #tpu.memory_space<vmem>>)
    %dma_wait3A_222 = arith.constant 1 : i32
    %dma_wait3A_223 = arith.constant 5 : i32
    %dma_wait3A_224 = arith.constant 1 : i32
    %dma_wait3A_225 = arith.constant 640 : i32
    %dma_wait3A_226 = arith.constant 0 : i32
    %dma_wait3A_227 = tpu.memref_slice %arg7[%dma_wait3A_224, %dma_wait3A_225, %dma_wait3A_226] : memref<2x1024x40xf32, #tpu.memory_space<vmem>> -> memref<1x128x40xf32, #tpu.memory_space<vmem>>
    %dma_wait3A_228 = tpu.memref_squeeze %dma_wait3A_227 : memref<1x128x40xf32, #tpu.memory_space<vmem>> -> memref<128x40xf32, #tpu.memory_space<vmem>>
    %dma_wait3A_229 = arith.constant 0 : i32
    %dma_wait3A_230 = tpu.memref_slice %arg6[%dma_wait3A_222, %dma_wait3A_223, %dma_wait3A_229] : memref<2x8x128xi32, #tpu.memory_space<vmem>> -> memref<1x1x128xi32, #tpu.memory_space<vmem>>
    %dma_wait3A_231 = tpu.memref_squeeze %dma_wait3A_230 : memref<1x1x128xi32, #tpu.memory_space<vmem>> -> memref<128xi32, #tpu.memory_space<vmem>>
    %dma_wait3A_232 = arith.constant 0 : i32
    %dma_wait3A_233 = arith.constant 0 : i32
    %dma_wait3A_234 = tpu.memref_slice %arg3[%dma_wait3A_232, %dma_wait3A_233] : memref<1000x40xf32, #tpu.memory_space<hbm>> -> memref<1000x40xf32, #tpu.memory_space<hbm>>
    tpu.wait_indirect_dma semaphore(%arg11 : memref<!tpu.dma_semaphore, #tpu.memory_space<semaphore_mem>>) src(%dma_wait3A_234 : memref<1000x40xf32, #tpu.memory_space<hbm>>) dst(%dma_wait3A_228 : memref<128x40xf32, #tpu.memory_space<vmem>>)
    %dma_wait3A_235 = arith.constant 1 : i32
    %dma_wait3A_236 = arith.constant 6 : i32
    %dma_wait3A_237 = arith.constant 1 : i32
    %dma_wait3A_238 = arith.constant 768 : i32
    %dma_wait3A_239 = arith.constant 0 : i32
    %dma_wait3A_240 = tpu.memref_slice %arg7[%dma_wait3A_237, %dma_wait3A_238, %dma_wait3A_239] : memref<2x1024x40xf32, #tpu.memory_space<vmem>> -> memref<1x128x40xf32, #tpu.memory_space<vmem>>
    %dma_wait3A_241 = tpu.memref_squeeze %dma_wait3A_240 : memref<1x128x40xf32, #tpu.memory_space<vmem>> -> memref<128x40xf32, #tpu.memory_space<vmem>>
    %dma_wait3A_242 = arith.constant 0 : i32
    %dma_wait3A_243 = tpu.memref_slice %arg6[%dma_wait3A_235, %dma_wait3A_236, %dma_wait3A_242] : memref<2x8x128xi32, #tpu.memory_space<vmem>> -> memref<1x1x128xi32, #tpu.memory_space<vmem>>
    %dma_wait3A_244 = tpu.memref_squeeze %dma_wait3A_243 : memref<1x1x128xi32, #tpu.memory_space<vmem>> -> memref<128xi32, #tpu.memory_space<vmem>>
    %dma_wait3A_245 = arith.constant 0 : i32
    %dma_wait3A_246 = arith.constant 0 : i32
    %dma_wait3A_247 = tpu.memref_slice %arg3[%dma_wait3A_245, %dma_wait3A_246] : memref<1000x40xf32, #tpu.memory_space<hbm>> -> memref<1000x40xf32, #tpu.memory_space<hbm>>
    tpu.wait_indirect_dma semaphore(%arg11 : memref<!tpu.dma_semaphore, #tpu.memory_space<semaphore_mem>>) src(%dma_wait3A_247 : memref<1000x40xf32, #tpu.memory_space<hbm>>) dst(%dma_wait3A_241 : memref<128x40xf32, #tpu.memory_space<vmem>>)
    %dma_wait3A_248 = arith.constant 1 : i32
    %dma_wait3A_249 = arith.constant 7 : i32
    %dma_wait3A_250 = arith.constant 1 : i32
    %dma_wait3A_251 = arith.constant 896 : i32
    %dma_wait3A_252 = arith.constant 0 : i32
    %dma_wait3A_253 = tpu.memref_slice %arg7[%dma_wait3A_250, %dma_wait3A_251, %dma_wait3A_252] : memref<2x1024x40xf32, #tpu.memory_space<vmem>> -> memref<1x128x40xf32, #tpu.memory_space<vmem>>
    %dma_wait3A_254 = tpu.memref_squeeze %dma_wait3A_253 : memref<1x128x40xf32, #tpu.memory_space<vmem>> -> memref<128x40xf32, #tpu.memory_space<vmem>>
    %dma_wait3A_255 = arith.constant 0 : i32
    %dma_wait3A_256 = tpu.memref_slice %arg6[%dma_wait3A_248, %dma_wait3A_249, %dma_wait3A_255] : memref<2x8x128xi32, #tpu.memory_space<vmem>> -> memref<1x1x128xi32, #tpu.memory_space<vmem>>
    %dma_wait3A_257 = tpu.memref_squeeze %dma_wait3A_256 : memref<1x1x128xi32, #tpu.memory_space<vmem>> -> memref<128xi32, #tpu.memory_space<vmem>>
    %dma_wait3A_258 = arith.constant 0 : i32
    %dma_wait3A_259 = arith.constant 0 : i32
    %dma_wait3A_260 = tpu.memref_slice %arg3[%dma_wait3A_258, %dma_wait3A_259] : memref<1000x40xf32, #tpu.memory_space<hbm>> -> memref<1000x40xf32, #tpu.memory_space<hbm>>
    tpu.wait_indirect_dma semaphore(%arg11 : memref<!tpu.dma_semaphore, #tpu.memory_space<semaphore_mem>>) src(%dma_wait3A_260 : memref<1000x40xf32, #tpu.memory_space<hbm>>) dst(%dma_wait3A_254 : memref<128x40xf32, #tpu.memory_space<vmem>>)
    return
  }
}

</mosaic_0001>

<sc_bundles>
// kernel: _embed.3.cloned.1.call-start
scs
__scs_entry_jumppad:
0x0: {  	(pc) =	sbr.rel $0x88, $3  }
0x1: {  	(tag) =	ssettag $0x0;
	lr =	simm.s32 $0x1  }
0x2: {  	[smem:$0x3F9E] =	sst lr;
	_ =	strace $0xD0000000  }
0x3: {  	_ = 	snop  }
0x4: {  	_ = 	snop  }
0x5: {  	_ = 	snop  }
0x6: {  	_ = 	snop  }
0x7: {  	_ = 	snop  }
__scs_overlays_trampoline_lowered:
0x8: {  	[smem:$0x3FAD] =	sst s0  }
0x9: {  	[smem:$0x3FAE] =	sst s1  }
0xa: {  	[smem:$0x3FAF] =	sst s2  }
0xb: {  	[smem:$0x3FB0] =	sst s3  }
0xc: {  	[smem:$0x3FB1] =	sst s4  }
0xd: {  	[smem:$0x3FB2] =	sst s5  }
0xe: {  	[smem:$0x3FB3] =	sst s6  }
0xf: {  	[smem:$0x3FB4] =	sst s7  }
0x10: {  	[smem:$0x3FB5] =	sst s8  }
0x11: {  	[smem:$0x3FB6] =	sst s9;
	s0 =	simm.s32 @!p0 $0x0  }
0x12: {  	s1 =	sld [smem:$0x3F9C];
	s0 =	simm.s32 @p0 $0x1  }
0x13: {  	[smem:$0x3FB7] =	sst s0;
	s0 =	simm.s32 @!p1 $0x0  }
0x14: {  	s2 =	sld [smem:$0x3F9B];
	s0 =	simm.s32 @p1 $0x1  }
0x15: {  	[smem:$0x3FB8] =	sst s0;
	s0 =	simm.s32 @!p2 $0x0  }
0x16: {  	s3 =	sld [smem:$0x3FDB];
	s0 =	simm.s32 @p2 $0x1  }
0x17: {  	s4 =	simm.s32 $0x1BF5;
	[smem:$0x3FBA] =	sst s0  }
0x18: {  	s0 =	sld [smem:$0x3F9D];
	_ =	swait.ge [sflag:s4], $0x0  }
0x19: {  	s7 =	sld [smem:$0x3F9E]  }
0x1a: {  	s8 =	sadd.s32 $0xFFFFE003, lr  }
0x1b: {  	s9 =	sadd.s32 $0xFFFFFEF7, lr;
	s5 =	simm.s32 $0xFFFFFFFF;
	p2 =	slt.u32 s8, $0xFFFFF086  }
0x1c: {  	p1 =	slt.u32 s9, $0xF7A;
	s5 =	simm.s32 @!p2 $0x0  }
0x1d: {  	s5 =	simm.s32 @p1 $0x1;
	p0 =	seq.s32 s7, s2  }
0x1e: {  	s7 =	smul.u32 @!p0 $0xF7A, s2;
	p2 =	seq.s32 @!p0 s5, $0x0  }
0x1f: {  	s9 =	smul.u32 $0xF7A, s1;
	s8 =	simm.s32 @!p0 $0x1BF5;
	p2 =	por !p2, p0  }
0x20: {  	[sflag:s8] =	ssyncset.s32 @!p0 $0xFFFFF086;
	s6 =	sadd.s32 @!p0 s3, s7;
	s7 =	simm.s32 @!p0 $0x108  }
0x21: {  	s3 =	sadd.s32 s3, s9;
	s6 =	sadd.s32 @!p0 $0x88, s6;
	s7 =	simm.s32 @p2 $0x1082  }
0x22: {  	[simem:s7], [sflag:s8] =	dma.local @!p0 [hbm:s6], $0xF7A  }
0x23: {  	s9 =	sor.u32 $0xD0000000, s2;
	s6 =	simm.s32 $0x108;
	_ =	swait.ge @!p0 [sflag:s8], $0x0  }
0x24: {  	s3 =	sadd.s32 $0x88, s3;
	s6 =	simm.s32 @!p1 $0x1082;
	[sflag:s4] =	ssyncset.s32 $0xFFFFF086  }
0x25: {  	[simem:s6], [sflag:s4] =	dma.local [hbm:s3], $0xF7A  }
0x26: {  	[smem:$0x3F9E] =	sst s1;
	(tag) =	ssettag s2;
	_ =	strace s9  }
0x27: {  	s1 =	sld [smem:$0x3FAE]  }
0x28: {  	s2 =	sld [smem:$0x3FAF]  }
0x29: {  	s4 =	sld [smem:$0x3FB1]  }
0x2a: {  	p0 =	seq.s32 s5, $0x0;
	s5 =	sld [smem:$0x3FB2]  }
0x2b: {  	s6 =	sld [smem:$0x3FB3]  }
0x2c: {  	s7 =	sld [smem:$0x3FB4]  }
0x2d: {  	s3 =	simm.s32 $0x108;
	s8 =	sld [smem:$0x3FB5]  }
0x2e: {  	s3 =	simm.s32 @!p0 $0x1082;
	s9 =	sld [smem:$0x3FB6]  }
0x2f: {  	lr =	sadd.s32 s0, s3;
	s0 =	sld [smem:$0x3FAD]  }
0x30: {  	s3 =	sld [smem:$0x3FB0]  }
0x31: {  	[smem:$0x3FB9] =	sst s10  }
0x32: {  	s10 =	sld [smem:$0x3FB7];
	_ =	sdelay $0x3  }
0x33: {  	p0 =	seq.s32 s10, $0x1;
	s10 =	sld [smem:$0x3FB9];
	_ =	sdelay $0x3  }
0x34: {  	[smem:$0x3FB9] =	sst s10  }
0x35: {  	s10 =	sld [smem:$0x3FB8];
	_ =	sdelay $0x3  }
0x36: {  	p1 =	seq.s32 s10, $0x1;
	s10 =	sld [smem:$0x3FB9];
	_ =	sdelay $0x3  }
0x37: {  	[smem:$0x3FB9] =	sst s10  }
0x38: {  	s10 =	sld [smem:$0x3FBA]  }
0x39: {  	_ = 	snop;
	(pc) =	sbr.ind lr, $3  }
0x3a: {  	_ = 	snop  }
0x3b: {  	_ = 	snop  }
0x3c: {  	p2 =	seq.s32 s10, $0x1;
	s10 =	sld [smem:$0x3FB9]  }
0x3d: {  	_ =	shalt  }
0x3e: {  	_ =	shalt  }
0x3f: {  	_ =	shalt  }
0x40: {  	_ =	shalt  }
0x41: {  	_ =	shalt  }
0x42: {  	_ =	shalt  }
0x43: {  	_ =	shalt  }
0x44: {  	_ =	shalt  }
0x45: {  	_ =	shalt  }
0x46: {  	_ =	shalt  }
0x47: {  	_ =	shalt  }
0x48: {  	_ =	shalt  }
0x49: {  	_ =	shalt  }
0x4a: {  	_ =	shalt  }
0x4b: {  	_ =	shalt  }
0x4c: {  	_ =	shalt  }
0x4d: {  	_ =	shalt  }
0x4e: {  	_ =	shalt  }
0x4f: {  	_ =	shalt  }
0x50: {  	_ =	shalt  }
0x51: {  	_ =	shalt  }
0x52: {  	_ =	shalt  }
0x53: {  	_ =	shalt  }
0x54: {  	_ =	shalt  }
0x55: {  	_ =	shalt  }
0x56: {  	_ =	shalt  }
0x57: {  	_ =	shalt  }
0x58: {  	_ =	shalt  }
0x59: {  	_ =	shalt  }
0x5a: {  	_ =	shalt  }
0x5b: {  	_ =	shalt  }
0x5c: {  	_ =	shalt  }
0x5d: {  	_ =	shalt  }
0x5e: {  	_ =	shalt  }
0x5f: {  	_ =	shalt  }
0x60: {  	_ =	shalt  }
0x61: {  	_ =	shalt  }
0x62: {  	_ =	shalt  }
0x63: {  	_ =	shalt  }
0x64: {  	_ =	shalt  }
0x65: {  	_ =	shalt  }
0x66: {  	_ =	shalt  }
0x67: {  	_ =	shalt  }
0x68: {  	_ =	shalt  }
0x69: {  	_ =	shalt  }
0x6a: {  	_ =	shalt  }
0x6b: {  	_ =	shalt  }
0x6c: {  	_ =	shalt  }
0x6d: {  	_ =	shalt  }
0x6e: {  	_ =	shalt  }
0x6f: {  	_ =	shalt  }
0x70: {  	_ =	shalt  }
0x71: {  	_ =	shalt  }
0x72: {  	_ =	shalt  }
0x73: {  	_ =	shalt  }
0x74: {  	_ =	shalt  }
0x75: {  	_ =	shalt  }
0x76: {  	_ =	shalt  }
0x77: {  	_ =	shalt  }
0x78: {  	_ =	shalt  }
0x79: {  	_ =	shalt  }
0x7a: {  	_ =	shalt  }
0x7b: {  	_ =	shalt  }
0x7c: {  	_ =	shalt  }
0x7d: {  	_ =	shalt  }
0x7e: {  	_ =	shalt  }
0x7f: {  	_ =	shalt  }
0x80: {  	_ =	shalt  }
0x81: {  	_ =	shalt  }
0x82: {  	_ =	shalt  }
0x83: {  	_ =	shalt  }
0x84: {  	_ =	shalt  }
0x85: {  	_ =	shalt  }
0x86: {  	_ =	shalt  }
0x87: {  	_ =	shalt  }
.Lfunc_end0:
.L_simem_size_0:
called_computation_lowered:
.L_overlay_start_0:
0x88: {  	s2 =	sld [smem:$0x3FD9]  }
0x89: {  	s3 =	sld [smem:$0x3FFE];
	_ =	sdelay $0x1  }
0x8a: {  	s1 =	srdreg.scid  }
0x8b: {  	s0 =	sand.u32 $0x1, s1  }
0x8c: {  	s17 =	sshll.u32 s0, $0xA;
	s2 =	sadd.s32 s3, s2  }
0x8d: {  	s2 =	sadd.s32 s2, s17  }
0x8e: {  	[smem:$0x3FC5] =	sst s2  }
0x8f: {  	_ = 	snop  }
0x90: {  	s2 =	sld [smem:$0x3FC9]  }
0x91: {  	s18 =	sld [smem:$0x3FD0];
	(tm) =	ssettm $0x1  }
0x92: {  	s4 =	sld [smem:$0x3FFB];
	_ =	sdelay $0x3  }
0x93: {  	_ =	strace s4  }
0x94: {  	s4 =	sld [smem:$0x3FFC];
	_ =	sdelay $0x3  }
0x95: {  	_ =	strace s4  }
0x96: {  	s4 =	sld [smem:$0x3FFD];
	_ =	sdelay $0x3  }
0x97: {  	_ =	strace s4  }
0x98: {  	_ =	strace $0x8FFFFFFF  }
0x99: {  	s19 =	sld [smem:$0x3FDB];
	_ =	sdelay $0x1  }
0x9a: {  	s5 =	simm.s32 $_scs_section_size  }
0x9b: {  	s6 =	simm.s32 $_size__tile_overlayer_lowered;
	s7 =	simm.s32 $_tile_overlayer_lowered  }
0x9c: {  	s22 =	simm.s32 $0x1BFF;
	s21 =	sshll.u32 s7, $0x1;
	s4 =	sadd.s32 s5, s19  }
0x9d: {  	s8 =	simm.s32 $0x0;
	s20 =	sshll.u32 s6, $0x1;
	s6 =	sadd.s32 s21, s4  }
0x9e: {  	[timem:s8], [sflag:s22] =	dma.local [hbm:s6], s20  }
0x9f: {  	_ =	swait.ge [sflag:s22], s20  }
0xa0: {  	s5 =	ssub.s32 $0x0, s20;
	[sflag:s22] =	ssyncset.done $0x0  }
0xa1: {  	[sflag:s22] =	ssyncadd.s32 s5;
	_ =	sdelay $0x1  }
0xa2: {  	s23 =	simm.s32 $0x1B8B  }
0xa3: {  	_ =	swait.ge [sflag:s23], $0x1  }
0xa4: {  	[sflag:s23] =	ssyncset.done $0x0  }
0xa5: {  	s25 =	simm.s32 $0x1B8E;
	s24 =	sld [smem:$0x3FFE];
	[sflag:s23] =	ssyncadd.s32 $0xFFFFFFFF  }
0xa6: {  	s26 =	simm.s32 $execute0_lowered;
	[smem:$0x3FD2] =	sst s25  }
0xa7: {  	s6 =	sshll.u32 s26, $0x1;
	_ =	strace $0x80000046;
	[dreg:$0x1] =	wrdreg $0xFFFFFFFF  }
0xa8: {  	s28 =	simm.s32 $_size_execute0_lowered;
	s4 =	sadd.s32 s4, s6;
	[dreg:$0x0] =	wrdreg $0x0  }
0xa9: {  	s6 =	sshll.u32 s28, $0x1;
	[dreg:$0x2] =	wrdreg s4  }
0xaa: {  	[dreg:$0x3] =	wrdreg s6  }
0xab: {  	[dreg:$0x4] =	wrdreg $0xC0  }
0xac: {  	_ =	task [dreg:s8], $0x5FFFF  }
0xad: {  	[dreg:$0x1] =	wrdreg $0xFFFFFFFF  }
0xae: {  	[dreg:$0x0] =	wrdreg $0x60  }
0xaf: {  	[dreg:$0x2] =	wrdreg s2  }
0xb0: {  	[dreg:$0x3] =	wrdreg s24  }
0xb1: {  	[dreg:$0x4] =	wrdreg s18  }
0xb2: {  	[dreg:$0x5] =	wrdreg $0x9  }
0xb3: {  	_ =	task.clear_ibuf [dreg:s8], $0x6FFFF;
	_ =	strace $0x90000046  }
0xb4: {  	s29 =	simm.s32 $0x9;
	_ =	strace $0x80000048  }
0xb5: {  	_ =	swait.ge [sflag:s29], $0x1  }
0xb6: {  	[sflag:s29] =	ssyncadd.s32 $0xFFFFFFFF  }
0xb7: {  	_ =	strace $0x90000048  }
0xb8: {  	_ =	sfence  }
0xb9: {  	s30 =	sld [smem:$0x0];
	_ =	sdelay $0x2  }
0xba: {  	s31 =	sshll.u32 s1, $0xD;
	s1 =	sshrl.u32 s1, $0x2  }
0xbb: {  	s3 =	sand.u32 $0x4000, s31;
	s1 =	sadd.s32 s1, s30  }
0xbc: {  	s0 =	sor.u32 s3, s0;
	s1 =	sshll.u32 s1, $0x11  }
0xbd: {  	s0 =	sor.u32 s1, s0  }
0xbe: {  	s0 =	sadd.s32 $0x8F2B, s0  }
0xbf: {  	[sflag:s0] =	ssyncadd.remote.s32 $0x1  }
0xc0: {  	_ =	sfence.sel $0xFFFF  }
0xc1: {  	[dreg:$0x0] =	wrdreg $0xFFFFFFFF;
	(pc) =	sbr.abs _section_cstart, $3  }
0xc2: {  	[dreg:$0x1] =	wrdreg $0xFFFFFFFF  }
0xc3: {  	_ =	task.clear_ibuf [dreg:s8], $0x2FFFF;
	_ =	strace $0x9FFFFFFF  }
0xc4: {  	(tm) =	ssettm $0x7FFFFFFF  }
0xc5: {  	_ =	shalt  }
tec
execute0_lowered:
.L_overlay_start_1:
0x0: {  	(tag) =	ssettag $0x1  }
0x1: {  	s4 =	rddreg [dreg:$0x0]  }
0x2: {  	s0 =	rddreg [dreg:$0x1]  }
0x3: {  	s1 =	srdreg.scid;
	s3 =	simm.s32 $0x0;
	s2 =	stileid.u32  }
0x4: {  	s1 =	sand.u32 $0x1, s1;
	[smem:$0x7FF] =	sst s3;
	s2 =	sshll.u32 s2, $0xB  }
0x5: {  	s25 =	sadd.s32 $0x800, s0;
	s0 =	sadd.s32 $0x400, s0;
	s24 =	sshll.u32 s1, $0xA  }
0x6: {  	_ =	strace $0x80000047;
	[dreg:$0x6] =	wrdreg s25;
	s1 =	ssub.s32 $0x2, s1  }
0x7: {  	v0 =	vlaneseq.u32;
	[dreg:$0x7] =	wrdreg s0;
	s3 =	sor.u32 s24, s2;
	s28 =	sshrl.u32 s1, $0x1  }
0x8: {  	v0 =	vmul.u32 $0x28, v0;
	s26 =	sshrl.u32 s3, $0x3;
	[dreg:$0x5] =	wrdreg s3;
	s30 =	sor.u32 $0x10000, s3  }
0x9: {  	v1 =	vimm.s32 $0x0;
	vm0 =	vcmask $0x300;
	s0 =	ssub.s32 s1, s28;
	s2 =	sadd.s32 s4, s26;
	[dreg:$0xa] =	wrdreg s30  }
0xa: {  	v1 =	vsel vm0, $0x3, v1;
	v2 =	vor.u32 $0x1, v0;
	s0 =	smax.u32 s0, $0x1;
	[dreg:$0x8] =	wrdreg s2  }
0xb: {  	v3 =	vor.u32 $0x2, v0;
	v4 =	vor.u32 $0x3, v0;
	v5 =	vor.u32 $0x4, v0;
	s29 =	sadd.s32 $0x1000, s2;
	[dreg:$0xb] =	wrdreg s0  }
0xc: {  	s31 =	simm.s32 $0x2;
	v6 =	vor.u32 $0x5, v0;
	v7 =	vor.u32 $0x6, v0;
	v8 =	vor.u32 $0x7, v0;
	s1 =	simm.s32 $0x0;
	[dreg:$0x9] =	wrdreg s29  }
.LBB2_1:
0xd: {  	[dreg:$0xc] =	wrdreg s1;
	s0 =	simm.s32 $0x0  }
0xe: {  	s11 =	rddreg [dreg:$0x7];
	s2 =	simm.s32 $0x1C800;
	s12 =	simm.s32 $0x4  }
0xf: {  	[tilespmem:s2], [sflag:$0x4] =	stream.linear.gather [hbm4b:s11+s0], $0x1900, $0x38;
	[tilespmem:$0x1E100] =	vst v63  }
0x10: {  	_ =	swait.ge [sflag:s12], $0x1900  }
0x11: {  	[sflag:s12] =	ssyncset.done $0x0  }
0x12: {  	s13 =	rddreg [dreg:$0x8];
	[sflag:s12] =	ssyncadd.s32 $0xFFFFE700  }
0x13: {  	[tilespmem:s0], [sflag:$0x4] =	stream.linear.gather [hbm4b:s13+s0], $0x400, $0x38;
	[tilespmem:$0x1E100] =	vst v63  }
0x14: {  	_ =	swait.ge [sflag:s12], $0x400  }
0x15: {  	s15 =	simm.s32 $0x80;
	[sflag:s12] =	ssyncset.done $0x0  }
0x16: {  	s3 =	simm.s32 $0x800;
	s14 =	rddreg [dreg:$0x6];
	[sflag:s12] =	ssyncadd.s32 $0xFFFFFC00  }
0x17: {  	[tilespmem:s3], [sflag:$0x2] =	stream.indirect.gather [hbm4b:s14+s15], $0x28, s0, s15, $0xb8;
	[tilespmem:$0x1E100] =	vst v63  }
0x18: {  	s16 =	simm.s32 $0x1C00  }
0x19: {  	[tilespmem:s16], [sflag:$0x2] =	stream.indirect.gather [hbm4b:s14+s15], $0x28, s15, s15, $0xb8;
	[tilespmem:$0x1E100] =	vst v63  }
0x1a: {  	s17 =	simm.s32 $0x100;
	s4 =	simm.s32 $0x3000  }
0x1b: {  	[tilespmem:s4], [sflag:$0x2] =	stream.indirect.gather [hbm4b:s14+s15], $0x28, s17, s15, $0xb8;
	[tilespmem:$0x1E100] =	vst v63  }
0x1c: {  	s18 =	simm.s32 $0x180;
	s19 =	simm.s32 $0x4400  }
0x1d: {  	[tilespmem:s19], [sflag:$0x2] =	stream.indirect.gather [hbm4b:s14+s15], $0x28, s18, s15, $0xb8;
	[tilespmem:$0x1E100] =	vst v63  }
0x1e: {  	s20 =	simm.s32 $0x200;
	s21 =	simm.s32 $0x5800  }
0x1f: {  	[tilespmem:s21], [sflag:$0x2] =	stream.indirect.gather [hbm4b:s14+s15], $0x28, s20, s15, $0xb8;
	[tilespmem:$0x1E100] =	vst v63  }
0x20: {  	s22 =	simm.s32 $0x280;
	s23 =	simm.s32 $0x6C00  }
0x21: {  	[tilespmem:s23], [sflag:$0x2] =	stream.indirect.gather [hbm4b:s14+s15], $0x28, s22, s15, $0xb8;
	[tilespmem:$0x1E100] =	vst v63  }
0x22: {  	s24 =	simm.s32 $0x300;
	s25 =	simm.s32 $0x8000  }
0x23: {  	[tilespmem:s25], [sflag:$0x2] =	stream.indirect.gather [hbm4b:s14+s15], $0x28, s24, s15, $0xb8;
	[tilespmem:$0x1E100] =	vst v63  }
0x24: {  	s26 =	simm.s32 $0x380;
	s28 =	simm.s32 $0x9400  }
0x25: {  	[tilespmem:s28], [sflag:$0x2] =	stream.indirect.gather [hbm4b:s14+s15], $0x28, s26, s15, $0xb8;
	[tilespmem:$0x1E100] =	vst v63  }
0x26: {  	s30 =	simm.s32 $0x400;
	s29 =	rddreg [dreg:$0x9];
	s16 =	simm.s32 $0x0  }
0x27: {  	[tilespmem:s30], [sflag:$0x1] =	stream.linear.gather [hbm4b:s29+s0], $0x400, $0x38;
	[tilespmem:$0x1E100] =	vst v63  }
.LBB2_2:
0x28: {  	_ =	swait.ge [sflag:s31], $0x1400  }
0x29: {  	[sflag:s31] =	ssyncset.done $0x0  }
0x2a: {  	[sflag:s31] =	ssyncadd.s32 $0xFFFFEC00  }
0x2b: {  	_ =	swait.ge [sflag:s31], $0x1400  }
0x2c: {  	[sflag:s31] =	ssyncset.done $0x0  }
0x2d: {  	[sflag:s31] =	ssyncadd.s32 $0xFFFFEC00  }
0x2e: {  	_ =	swait.ge [sflag:s31], $0x1400  }
0x2f: {  	[sflag:s31] =	ssyncset.done $0x0  }
0x30: {  	[sflag:s31] =	ssyncadd.s32 $0xFFFFEC00  }
0x31: {  	_ =	swait.ge [sflag:s31], $0x1400  }
0x32: {  	[sflag:s31] =	ssyncset.done $0x0  }
0x33: {  	[sflag:s31] =	ssyncadd.s32 $0xFFFFEC00  }
0x34: {  	_ =	swait.ge [sflag:s31], $0x1400  }
0x35: {  	[sflag:s31] =	ssyncset.done $0x0  }
0x36: {  	[sflag:s31] =	ssyncadd.s32 $0xFFFFEC00  }
0x37: {  	_ =	swait.ge [sflag:s31], $0x1400  }
0x38: {  	[sflag:s31] =	ssyncset.done $0x0  }
0x39: {  	[sflag:s31] =	ssyncadd.s32 $0xFFFFEC00  }
0x3a: {  	_ =	swait.ge [sflag:s31], $0x1400  }
0x3b: {  	[sflag:s31] =	ssyncset.done $0x0  }
0x3c: {  	[sflag:s31] =	ssyncadd.s32 $0xFFFFEC00  }
0x3d: {  	_ =	swait.ge [sflag:s31], $0x1400  }
0x3e: {  	[sflag:s31] =	ssyncset.done $0x0  }
0x3f: {  	s3 =	simm.s32 $0x1;
	[sflag:s31] =	ssyncadd.s32 $0xFFFFEC00  }
0x40: {  	s1 =	smin.u32 s16, $0x16;
	s2 =	sand.u32 $0x1, s16;
	_ =	swait.ge [sflag:s3], $0x400  }
0x41: {  	s1 =	sshll.u32 s1, $0xF;
	[sflag:s3] =	ssyncset.done $0x0;
	s0 =	rddreg [dreg:$0xa]  }
0x42: {  	s6 =	simm.s32 $0x0;
	s1 =	sadd.s32 s0, s1;
	[sflag:s3] =	ssyncadd.s32 $0xFFFFFC00  }
0x43: {  	s30 =	sxor.u32 $0x1, s2;
	s1 =	sshrl.u32 s1, $0x3;
	s5 =	rddreg [dreg:$0x0]  }
0x44: {  	s4 =	sshll.u32 s2, $0xA;
	s1 =	sadd.s32 s5, s1;
	s5 =	smul.u32 $0x28000, s30  }
0x45: {  	[tilespmem:s4], [sflag:$0x1] =	stream.linear.gather [hbm4b:s1+s6], $0x400, $0x38;
	[tilespmem:$0x1E100] =	vst v63  }
0x46: {  	s9 =	rddreg [dreg:$0x6];
	s7 =	sshrl.u32 s5, $0x2  }
0x47: {  	s3 =	sshll.u32 s30, $0xA;
	s6 =	simm.s32 $0x80;
	s8 =	sor.u32 $0x800, s7  }
0x48: {  	[tilespmem:s8], [sflag:$0x2] =	stream.indirect.gather [hbm4b:s9+s6], $0x28, s3, s6, $0xb8;
	[tilespmem:$0x1E100] =	vst v63  }
0x49: {  	s11 =	sor.u32 $0x80, s3;
	s10 =	sor.u32 $0x1C00, s7  }
0x4a: {  	[tilespmem:s10], [sflag:$0x2] =	stream.indirect.gather [hbm4b:s9+s6], $0x28, s11, s6, $0xb8;
	[tilespmem:$0x1E100] =	vst v63  }
0x4b: {  	s13 =	sor.u32 $0x100, s3;
	s12 =	sadd.s32 $0x3000, s7  }
0x4c: {  	[tilespmem:s12], [sflag:$0x2] =	stream.indirect.gather [hbm4b:s9+s6], $0x28, s13, s6, $0xb8;
	[tilespmem:$0x1E100] =	vst v63  }
0x4d: {  	s15 =	sor.u32 $0x180, s3;
	s14 =	sadd.s32 $0x4400, s7  }
0x4e: {  	[tilespmem:s14], [sflag:$0x2] =	stream.indirect.gather [hbm4b:s9+s6], $0x28, s15, s6, $0xb8;
	[tilespmem:$0x1E100] =	vst v63  }
0x4f: {  	s18 =	sor.u32 $0x200, s3;
	s17 =	sadd.s32 $0x5800, s7  }
0x50: {  	[tilespmem:s17], [sflag:$0x2] =	stream.indirect.gather [hbm4b:s9+s6], $0x28, s18, s6, $0xb8;
	[tilespmem:$0x1E100] =	vst v63  }
0x51: {  	s20 =	sor.u32 $0x280, s3;
	s19 =	sadd.s32 $0x6C00, s7  }
0x52: {  	[tilespmem:s19], [sflag:$0x2] =	stream.indirect.gather [hbm4b:s9+s6], $0x28, s20, s6, $0xb8;
	[tilespmem:$0x1E100] =	vst v63  }
0x53: {  	s23 =	simm.s32 $0x0;
	s22 =	sor.u32 $0x300, s3;
	s21 =	sadd.s32 $0x8000, s7  }
0x54: {  	[tilespmem:s21], [sflag:$0x2] =	stream.indirect.gather [hbm4b:s9+s6], $0x28, s22, s6, $0xb8;
	[tilespmem:$0x1E100] =	vst v63  }
0x55: {  	s24 =	simm.s32 $0x0;
	s1 =	sadd.s32 $0x9400, s7;
	s3 =	sor.u32 $0x380, s3  }
0x56: {  	[tilespmem:s1], [sflag:$0x2] =	stream.indirect.gather [hbm4b:s9+s6], $0x28, s3, s6, $0xb8;
	[tilespmem:$0x1E100] =	vst v63  }
0x57: {  	s25 =	sand.u32 $0x7, s24;
	s9 =	sand.u32 $0x60, s23  }
0x58: {  	s26 =	sshll.u32 s25, $0x7;
	s11 =	sor.u32 $0x10, s9  }
0x59: {  	s30 =	sor.u32 s11, s26  }
0x5a: {  	s5 =	smul.u32 $0x28, s30  }
0x5b: {  	s8 =	sand.u32 $0x1FFFFFF8, s24  }
0x5c: {  	s5 =	sadd.s32 s8, s5  }
0x5d: {  	s7 =	sshll.u32 s16, $0x8;
	v9 =	vmov s5  }
0x5e: {  	p0 =	seq.s32 s16, $0x0;
	s7 =	sand.u32 $0x3FFFFF00, s7;
	v9 =	vshrl.u32 v9, $0x3  }
0x5f: {  	s7 =	sadd.s32 $0x1C800, s7;
	s10 =	simm.s32 @!p0 $0x3;
	v9 =	vshll.u32 v9, v1  }
0x60: {  	_ =	swait.ge @!p0 [sflag:s10], $0x8000;
	[dreg:$0x4] =	wrdreg s7;
	v19 =	vbroadcast v9, $0x0  }
0x61: {  	s6 =	sshrl.u32 s26, $0x2;
	s0 =	rddreg [dreg:$0x4]  }
0x62: {  	p1 =	por $0x1, $0x1;
	s5 =	sadd.s32 s6, s0;
	v9 =	vadd.s32 v0, v19  }
0x63: {  	s2 =	smul.u32 $0x28000, s2;
	[sflag:s10] =	ssyncset.done @!p0 $0x0;
	s7 =	sadd.s32 $0x10, s5  }
0x64: {  	[sflag:s10] =	ssyncadd.s32 @!p0 $0xFFFF8000;
	s7 =	smov.u32 @p1 s5  }
0x65: {  	s2 =	sshrl.u32 s2, $0x2;
	v23 =	vld [tilespmem:s7+$0x0]  }
0x66: {  	s17 =	sor.u32 $0x800, s2;
	s4 =	sor.u32 s9, s26  }
0x67: {  	s12 =	smul.u32 $0x28, s4;
	v9 =	vld.idx.msk [tilespmem:v9+s17+$0x0], $0xffff  }
0x68: {  	s13 =	simm.s32 $0x20;
	s14 =	simm.s32 $0x0;
	s3 =	sand.u32 $0x8, s24  }
0x69: {  	s15 =	simm.s32 $0x0;
	s18 =	sand.u32 $0x60, s13;
	v25 =	vmov s3;
	s2 =	sadd.s32 s8, s12  }
0x6a: {  	s19 =	sand.u32 $0x3FFFFC00, s15;
	s20 =	sand.u32 $0x7, s14;
	s1 =	sshll.u32 s25, $0xC;
	v10 =	vmov s2;
	v12 =	vadd.s32 v2, v19;
	v11 =	vperm.xlane v23, v25  }
0x6b: {  	s21 =	sshll.u32 s20, $0x7;
	s23 =	sor.u32 $0x10, s18;
	s8 =	sadd.s32 s19, s1;
	v10 =	vshrl.u32 v10, $0x3  }
0x6c: {  	s22 =	sor.u32 s23, s21;
	s2 =	sadd.s32 $0x14800, s8;
	v10 =	vshll.u32 v10, v1;
	v9 =	vadd.f32 v9, v11  }
0x6d: {  	s4 =	smul.u32 $0x28, s22;
	s24 =	sor.u32 s11, s2;
	v13 =	vbroadcast v10, $0x0  }
0x6e: {  	s25 =	sand.u32 $0x1FFFFFF8, s14;
	[tilespmem:s24+$0x0] =	vst v9  }
0x6f: {  	s4 =	sadd.s32 s25, s4;
	v9 =	vadd.s32 v0, v13;
	v10 =	vld.idx.msk [tilespmem:v12+s17+$0x0], $0xffff  }
0x70: {  	v12 =	vmov s4  }
0x71: {  	s26 =	sor.u32 s18, s21;
	v14 =	vor.u32 $0x1, v25;
	v12 =	vshrl.u32 v12, $0x3  }
0x72: {  	v15 =	vperm.xlane v23, v14;
	v14 =	vadd.s32 v3, v19;
	s4 =	smul.u32 $0x28, s26;
	v12 =	vshll.u32 v12, v1  }
0x73: {  	s30 =	rddreg [dreg:$0x4];
	v26 =	vbroadcast v12, $0x0  }
0x74: {  	s1 =	sshrl.u32 s21, $0x2;
	s0 =	sadd.s32 $0x14880, s8;
	s4 =	sadd.s32 s25, s4;
	v9 =	vld.idx.msk [tilespmem:v9+s17+$0x0], $0xffff;
	v10 =	vadd.f32 v10, v15  }
0x75: {  	s1 =	sadd.s32 s1, s30;
	s6 =	sor.u32 s11, s0;
	v12 =	vmov s4;
	v16 =	vadd.s32 v0, v26  }
0x76: {  	p0 =	por $0x1, $0x1;
	s10 =	sadd.s32 $0x10, s1;
	v12 =	vshrl.u32 v12, $0x3;
	[tilespmem:s6+$0x0] =	vst v10  }
0x77: {  	s10 =	smov.u32 @p0 s1;
	v12 =	vshll.u32 v12, v1;
	v10 =	vadd.s32 v2, v13;
	v17 =	vld.idx.msk [tilespmem:v14+s17+$0x0], $0xffff  }
0x78: {  	v14 =	vbroadcast v12, $0x0;
	v12 =	vld [tilespmem:s10+$0x0]  }
0x79: {  	v9 =	vadd.f32 v11, v9  }
0x7a: {  	s13 =	simm.s32 $0x20;
	s10 =	sor.u32 s9, s2;
	v11 =	vadd.s32 v0, v14;
	v16 =	vld.idx.msk [tilespmem:v16+s17+$0x0], $0xffff  }
0x7b: {  	v18 =	vor.u32 $0x2, v25;
	s12 =	simm.s32 $0x40;
	s5 =	sand.u32 $0x8, s14;
	s2 =	simm.s32 $0x0;
	[tilespmem:s10+$0x0] =	vst v9  }
0x7c: {  	s15 =	sand.u32 $0x3FFFFC00, s13;
	s19 =	sand.u32 $0x60, s12;
	v20 =	vadd.s32 v4, v19;
	v18 =	vperm.xlane v23, v18;
	s1 =	sand.u32 $0x7, s2;
	v9 =	vmov s5;
	v10 =	vld.idx.msk [tilespmem:v10+s17+$0x0], $0xffff  }
0x7d: {  	s14 =	sshll.u32 s20, $0xC;
	s20 =	sor.u32 $0x10, s19;
	v22 =	vadd.s32 v2, v26;
	s21 =	sshll.u32 s1, $0x7;
	v21 =	vperm.xlane v12, v9  }
0x7e: {  	s3 =	sadd.s32 $0x14900, s8;
	s25 =	sadd.s32 s15, s14;
	s24 =	sor.u32 s20, s21;
	v17 =	vadd.f32 v17, v18  }
0x7f: {  	s22 =	sor.u32 s11, s3;
	v24 =	vadd.s32 v3, v13;
	s12 =	sadd.s32 $0x14800, s25;
	s26 =	smul.u32 $0x28, s24;
	v11 =	vld.idx.msk [tilespmem:v11+s17+$0x0], $0xffff;
	v16 =	vadd.f32 v16, v21  }
0x80: {  	s30 =	sor.u32 s23, s12;
	s13 =	sand.u32 $0x1FFFFFF8, s2;
	[tilespmem:s22+$0x0] =	vst v17  }
0x81: {  	v28 =	vadd.s32 v4, v13;
	s4 =	sadd.s32 s13, s26;
	v17 =	vld.idx.msk [tilespmem:v20+s17+$0x0], $0xffff;
	v10 =	vadd.f32 v15, v10;
	[tilespmem:s30+$0x0] =	vst v16  }
0x82: {  	s0 =	sor.u32 s9, s0;
	v20 =	vor.u32 $0x3, v25;
	v15 =	vadd.s32 v2, v14;
	v16 =	vld.idx.msk [tilespmem:v22+s17+$0x0], $0xffff;
	v22 =	vmov s4  }
0x83: {  	v20 =	vperm.xlane v23, v20;
	[tilespmem:s0+$0x0] =	vst v10;
	v10 =	vadd.s32 v5, v19;
	v22 =	vshrl.u32 v22, $0x3  }
0x84: {  	s5 =	sor.u32 s19, s21;
	v24 =	vld.idx.msk [tilespmem:v24+s17+$0x0], $0xffff;
	v21 =	vadd.f32 v21, v11;
	v11 =	vshll.u32 v22, v1;
	v22 =	vor.u32 $0x1, v9  }
0x85: {  	v30 =	vadd.s32 v7, v13;
	s12 =	sor.u32 s18, s12;
	v27 =	vadd.s32 v3, v26;
	s6 =	smul.u32 $0x28, s5;
	v22 =	vperm.xlane v12, v22  }
0x86: {  	v56 =	vadd.s32 v8, v19;
	s14 =	rddreg [dreg:$0x4];
	s21 =	sshrl.u32 s21, $0x2;
	s4 =	sadd.s32 $0x14980, s8;
	v17 =	vadd.f32 v17, v20;
	v11 =	vbroadcast v11, $0x0;
	[tilespmem:s12+$0x0] =	vst v21  }
0x87: {  	v37 =	vadd.s32 v4, v26;
	v45 =	vadd.s32 v5, v26;
	s5 =	sadd.s32 s13, s6;
	s22 =	sadd.s32 $0x14880, s25;
	s15 =	sor.u32 s11, s4;
	v29 =	vld.idx.msk [tilespmem:v15+s17+$0x0], $0xffff;
	v15 =	vadd.f32 v16, v22  }
0x88: {  	v57 =	vadd.s32 v6, v26;
	s24 =	sor.u32 s23, s22;
	[tilespmem:s15+$0x0] =	vst v17;
	v17 =	vmov s5;
	v31 =	vadd.s32 v0, v11;
	s5 =	sadd.s32 s21, s14  }
0x89: {  	p0 =	por $0x1, $0x1;
	v62 =	vadd.s32 v4, v14;
	v32 =	vld.idx.msk [tilespmem:v10+s17+$0x0], $0xffff;
	v17 =	vshrl.u32 v17, $0x3;
	s12 =	sadd.s32 $0x10, s5;
	v10 =	vadd.f32 v18, v24;
	[tilespmem:s24+$0x0] =	vst v15  }
0x8a: {  	s3 =	sor.u32 s9, s3;
	v21 =	vadd.s32 v6, v13;
	v16 =	vadd.s32 v5, v13;
	v15 =	vshll.u32 v17, v1;
	s12 =	smov.u32 @p0 s5;
	v17 =	vld.idx.msk [tilespmem:v27+s17+$0x0], $0xffff  }
0x8b: {  	v18 =	vadd.s32 v3, v14;
	v24 =	vor.u32 $0x4, v25;
	v27 =	vbroadcast v15, $0x0;
	[tilespmem:s3+$0x0] =	vst v10;
	v10 =	vld [tilespmem:s12+$0x0]  }
0x8c: {  	s7 =	simm.s32 $0x40;
	s26 =	sor.u32 s18, s22;
	s30 =	simm.s32 $0x60;
	v33 =	vperm.xlane v23, v24;
	v24 =	vadd.s32 v6, v19;
	v15 =	vadd.s32 v8, v13;
	v35 =	vld.idx.msk [tilespmem:v28+s17+$0x0], $0xffff  }
0x8d: {  	s0 =	sand.u32 $0x8, s2;
	s2 =	simm.s32 $0x0;
	s21 =	sand.u32 $0x60, s30;
	v13 =	vadd.f32 v22, v29;
	v22 =	vadd.s32 v0, v27;
	v29 =	vld.idx.msk [tilespmem:v31+s17+$0x0], $0xffff;
	v28 =	vor.u32 $0x2, v9  }
0x8e: {  	v34 =	vadd.s32 v5, v14;
	s3 =	sadd.s32 $0x14A00, s8;
	s12 =	sshll.u32 s1, $0xC;
	s1 =	sand.u32 $0x7, s2;
	v31 =	vadd.f32 v32, v33;
	v36 =	vperm.xlane v12, v28  }
0x8f: {  	v40 =	vadd.s32 v2, v11;
	v51 =	vadd.s32 v3, v11;
	s22 =	sor.u32 $0x10, s21;
	s6 =	sor.u32 s11, s3;
	s5 =	sshll.u32 s1, $0x7;
	[tilespmem:s26+$0x0] =	vst v13;
	v13 =	vmov s0  }
0x90: {  	s13 =	sand.u32 $0x3FFFFC00, s7;
	s14 =	sadd.s32 $0x14900, s25;
	s30 =	sor.u32 s22, s5;
	v18 =	vld.idx.msk [tilespmem:v18+s17+$0x0], $0xffff;
	[tilespmem:s6+$0x0] =	vst v31;
	v38 =	vadd.f32 v17, v36;
	v31 =	vperm.xlane v10, v13  }
0x91: {  	s24 =	sadd.s32 s13, s12;
	v41 =	vadd.s32 v2, v27;
	v63 =	vadd.s32 v3, v27;
	v28 =	vadd.s32 v6, v14;
	s26 =	sor.u32 s23, s14;
	s0 =	smul.u32 $0x28, s30;
	v39 =	vld.idx.msk [tilespmem:v24+s17+$0x0], $0xffff  }
0x92: {  	v54 =	vor.u32 $0x6, v25;
	s15 =	sand.u32 $0x1FFFFFF8, s2;
	s13 =	sadd.s32 $0x14800, s24;
	v17 =	vadd.s32 v7, v14;
	v22 =	vld.idx.msk [tilespmem:v22+s17+$0x0], $0xffff;
	[tilespmem:s26+$0x0] =	vst v38;
	v29 =	vadd.f32 v29, v31  }
0x93: {  	s6 =	sor.u32 s20, s13;
	v24 =	vor.u32 $0x5, v25;
	s7 =	sadd.s32 s15, s0;
	v20 =	vadd.f32 v20, v35;
	v35 =	vadd.s32 v4, v27;
	v37 =	vld.idx.msk [tilespmem:v37+s17+$0x0], $0xffff  }
0x94: {  	s4 =	sor.u32 s9, s4;
	v42 =	vperm.xlane v23, v24;
	v24 =	vadd.s32 v5, v27;
	v49 =	vmov s7;
	[tilespmem:s6+$0x0] =	vst v29  }
0x95: {  	[tilespmem:s4+$0x0] =	vst v20;
	v20 =	vor.u32 $0x3, v9;
	v29 =	vadd.s32 v7, v19;
	v18 =	vadd.f32 v36, v18;
	v48 =	vld.idx.msk [tilespmem:v40+s17+$0x0], $0xffff  }
0x96: {  	s10 =	sadd.s32 $0x14A80, s8;
	s12 =	sor.u32 s18, s14;
	s14 =	sor.u32 s21, s5;
	v43 =	vld.idx.msk [tilespmem:v16+s17+$0x0], $0xffff;
	v44 =	vperm.xlane v12, v20;
	v16 =	vshrl.u32 v49, $0x3;
	v39 =	vadd.f32 v39, v42  }
0x97: {  	s30 =	sor.u32 s11, s10;
	s26 =	smul.u32 $0x28, s14;
	v16 =	vshll.u32 v16, v1;
	[tilespmem:s12+$0x0] =	vst v18;
	v31 =	vadd.f32 v31, v22;
	v18 =	vor.u32 $0x1, v13  }
0x98: {  	v55 =	vor.u32 $0x4, v9;
	s0 =	sor.u32 s19, s13;
	s6 =	sadd.s32 $0x14980, s25;
	v32 =	vld.idx.msk [tilespmem:v62+s17+$0x0], $0xffff;
	[tilespmem:s30+$0x0] =	vst v39;
	v37 =	vadd.f32 v37, v44;
	v50 =	vperm.xlane v10, v18  }
0x99: {  	s4 =	sadd.s32 s15, s26;
	v20 =	vadd.s32 v7, v27;
	s15 =	sor.u32 s23, s6;
	v22 =	vadd.s32 v6, v27;
	v18 =	vbroadcast v16, $0x0;
	[tilespmem:s0+$0x0] =	vst v31  }
0x9a: {  	s14 =	rddreg [dreg:$0x4];
	s26 =	sshrl.u32 s5, $0x2;
	v16 =	vadd.s32 v8, v27;
	v27 =	vmov s4;
	s30 =	sadd.s32 $0x14880, s24;
	v31 =	vld.idx.msk [tilespmem:v41+s17+$0x0], $0xffff;
	[tilespmem:s15+$0x0] =	vst v37;
	v52 =	vadd.f32 v48, v50  }
0x9b: {  	v14 =	vadd.s32 v8, v14;
	s4 =	sadd.s32 s26, s14;
	v27 =	vshrl.u32 v27, $0x3;
	s0 =	sor.u32 s20, s30;
	v53 =	vadd.s32 v0, v18;
	v45 =	vld.idx.msk [tilespmem:v45+s17+$0x0], $0xffff  }
0x9c: {  	p0 =	por $0x1, $0x1;
	v25 =	vor.u32 $0x7, v25;
	s13 =	sadd.s32 $0x10, s4;
	v29 =	vld.idx.msk [tilespmem:v29+s17+$0x0], $0xffff;
	v33 =	vadd.f32 v33, v43;
	v27 =	vshll.u32 v27, v1;
	[tilespmem:s0+$0x0] =	vst v52  }
0x9d: {  	s3 =	sor.u32 s9, s3;
	s1 =	sshll.u32 s1, $0xC;
	v36 =	vperm.xlane v23, v54;
	s13 =	smov.u32 @p0 s4;
	v37 =	vbroadcast v27, $0x0;
	v27 =	vadd.f32 v44, v32;
	v40 =	vld.idx.msk [tilespmem:v51+s17+$0x0], $0xffff  }
0x9e: {  	s5 =	sor.u32 s9, s10;
	v23 =	vperm.xlane v23, v25;
	s7 =	sor.u32 s18, s6;
	s14 =	simm.s32 $0x80;
	v62 =	vor.u32 $0x5, v9;
	v43 =	vperm.xlane v12, v55;
	v19 =	vld [tilespmem:s13+$0x0];
	[tilespmem:s3+$0x0] =	vst v33  }
0x9f: {  	s6 =	sor.u32 s19, s30;
	s28 =	sand.u32 $0x60, s14;
	s30 =	simm.s32 $0x60;
	v46 =	vld.idx.msk [tilespmem:v21+s17+$0x0], $0xffff;
	v47 =	vadd.s32 v0, v37;
	[tilespmem:s7+$0x0] =	vst v27;
	v21 =	vadd.f32 v50, v31;
	v27 =	vor.u32 $0x2, v13  }
0xa0: {  	s4 =	sadd.s32 $0x14A00, s25;
	s15 =	sand.u32 $0x8, s2;
	s13 =	simm.s32 $0x1;
	v48 =	vadd.s32 v4, v11;
	v58 =	vld.idx.msk [tilespmem:v53+s17+$0x0], $0xffff;
	v59 =	vadd.f32 v45, v43;
	v60 =	vperm.xlane v10, v27  }
0xa1: {  	v54 =	vadd.s32 v7, v26;
	s29 =	sor.u32 $0x10, s28;
	s26 =	sor.u32 s23, s4;
	s12 =	sand.u32 $0x7, s13;
	v33 =	vperm.xlane v12, v62;
	v32 =	vadd.s32 v3, v37;
	[tilespmem:s6+$0x0] =	vst v21  }
0xa2: {  	s10 =	sand.u32 $0x3FFFFC00, s30;
	s2 =	sshll.u32 s12, $0x7;
	v52 =	vadd.s32 v8, v26;
	v21 =	vmov s15;
	s15 =	sadd.s32 $0x14900, s24;
	v38 =	vld.idx.msk [tilespmem:v63+s17+$0x0], $0xffff;
	[tilespmem:s26+$0x0] =	vst v59;
	v40 =	vadd.f32 v40, v60  }
0xa3: {  	s3 =	sadd.s32 $0x14B00, s8;
	s0 =	sor.u32 s29, s2;
	v51 =	vadd.s32 v2, v18;
	v49 =	vadd.f32 v29, v36;
	v41 =	vperm.xlane v19, v21;
	s26 =	sor.u32 s20, s15;
	v44 =	vld.idx.msk [tilespmem:v57+s17+$0x0], $0xffff  }
0xa4: {  	v26 =	vadd.s32 v8, v37;
	s30 =	smul.u32 $0x28, s0;
	s7 =	sadd.s32 s10, s1;
	s6 =	sor.u32 s11, s3;
	v42 =	vadd.f32 v42, v46;
	v61 =	vld.idx.msk [tilespmem:v47+s17+$0x0], $0xffff;
	[tilespmem:s26+$0x0] =	vst v40  }
0xa5: {  	s14 =	sor.u32 s28, s2;
	v50 =	vadd.s32 v2, v37;
	s1 =	sand.u32 $0x1FFFFFF8, s13;
	s0 =	sadd.s32 $0x14800, s7;
	[tilespmem:s6+$0x0] =	vst v49;
	v25 =	vadd.f32 v58, v41;
	v39 =	vld.idx.msk [tilespmem:v48+s17+$0x0], $0xffff  }
0xa6: {  	v31 =	vadd.s32 v4, v37;
	v29 =	vadd.s32 v5, v37;
	s10 =	smul.u32 $0x28, s14;
	v55 =	vld.idx.msk [tilespmem:v34+s17+$0x0], $0xffff;
	s30 =	sadd.s32 s1, s30;
	s6 =	sor.u32 s22, s0;
	[tilespmem:s5+$0x0] =	vst v42  }
0xa7: {  	v63 =	vmov s30;
	v57 =	vor.u32 $0x3, v13;
	v42 =	vld.idx.msk [tilespmem:v56+s17+$0x0], $0xffff;
	[tilespmem:s6+$0x0] =	vst v25;
	v56 =	vadd.f32 v60, v38  }
0xa8: {  	s1 =	sadd.s32 s1, s10;
	s10 =	sadd.s32 $0x14A80, s25;
	s14 =	sor.u32 s19, s15;
	v59 =	vadd.s32 v5, v11;
	v58 =	vld.idx.msk [tilespmem:v51+s17+$0x0], $0xffff;
	v38 =	vperm.xlane v10, v57;
	v44 =	vadd.f32 v44, v33  }
0xa9: {  	s15 =	sor.u32 s23, s10;
	v62 =	vor.u32 $0x1, v21;
	v51 =	vld.idx.msk [tilespmem:v30+s17+$0x0], $0xffff;
	v60 =	vshrl.u32 v63, $0x3;
	v41 =	vadd.f32 v41, v61;
	[tilespmem:s14+$0x0] =	vst v56  }
0xaa: {  	s0 =	sor.u32 s21, s0;
	v30 =	vmov s1;
	s1 =	sadd.s32 $0x14980, s24;
	v34 =	vshll.u32 v60, v1;
	v61 =	vld.idx.msk [tilespmem:v35+s17+$0x0], $0xffff;
	[tilespmem:s15+$0x0] =	vst v44;
	v39 =	vadd.f32 v39, v38  }
0xab: {  	v47 =	vperm.xlane v19, v62;
	v63 =	vadd.s32 v3, v18;
	s30 =	sor.u32 s20, s1;
	v34 =	vbroadcast v34, $0x0;
	[tilespmem:s0+$0x0] =	vst v41;
	v40 =	vld.idx.msk [tilespmem:v54+s17+$0x0], $0xffff  }
0xac: {  	p0 =	por $0x1, $0x1;
	s4 =	sor.u32 s18, s4;
	v27 =	vadd.s32 v6, v37;
	v30 =	vshrl.u32 v30, $0x3;
	v56 =	vadd.f32 v43, v55;
	v50 =	vld.idx.msk [tilespmem:v50+s17+$0x0], $0xffff;
	[tilespmem:s30+$0x0] =	vst v39  }
0xad: {  	s2 =	sshrl.u32 s2, $0x2;
	s26 =	rddreg [dreg:$0x4];
	s6 =	sadd.s32 $0x14880, s7;
	v57 =	vadd.s32 v0, v34;
	v58 =	vadd.f32 v58, v47;
	v49 =	vld.idx.msk [tilespmem:v59+s17+$0x0], $0xffff;
	v59 =	vor.u32 $0x6, v9  }
0xae: {  	v42 =	vadd.f32 v42, v23;
	s0 =	sadd.s32 s2, s26;
	s14 =	sadd.s32 $0x14B80, s8;
	v60 =	vshll.u32 v30, v1;
	s15 =	sor.u32 s22, s6;
	[tilespmem:s4+$0x0] =	vst v56;
	v30 =	vperm.xlane v12, v59  }
0xaf: {  	s3 =	sor.u32 s9, s3;
	v25 =	vadd.s32 v7, v37;
	s8 =	sor.u32 s11, s14;
	s2 =	sadd.s32 $0x10, s0;
	v35 =	vbroadcast v60, $0x0;
	v36 =	vadd.f32 v36, v51;
	v39 =	vld.idx.msk [tilespmem:v28+s17+$0x0], $0xffff;
	[tilespmem:s15+$0x0] =	vst v58  }
0xb0: {  	v62 =	vor.u32 $0x4, v13;
	s5 =	simm.s32 $0x8;
	s26 =	sadd.s32 $0x14B00, s25;
	v41 =	vadd.s32 v6, v11;
	[tilespmem:s8+$0x0] =	vst v42;
	s2 =	smov.u32 @p0 s0;
	v44 =	vld.idx.msk [tilespmem:v63+s17+$0x0], $0xffff;
	v63 =	vadd.f32 v40, v30  }
0xb1: {  	s1 =	sor.u32 s19, s1;
	s11 =	sor.u32 s18, s10;
	v46 =	vadd.s32 v0, v35;
	v28 =	vld [tilespmem:s2+$0x0];
	s30 =	sor.u32 s23, s26;
	[tilespmem:s3+$0x0] =	vst v36;
	v36 =	vperm.xlane v10, v62;
	v61 =	vadd.f32 v38, v61  }
0xb2: {  	s8 =	sor.u32 s9, s14;
	s4 =	sor.u32 s21, s6;
	s9 =	sor.u32 s18, s26;
	v43 =	vadd.f32 v47, v50;
	v47 =	vadd.s32 v3, v35;
	v45 =	vld.idx.msk [tilespmem:v57+s17+$0x0], $0xffff;
	[tilespmem:s30+$0x0] =	vst v63  }
0xb3: {  	v48 =	vor.u32 $0x2, v21;
	s15 =	simm.s32 $0x8;
	s3 =	simm.s32 $0xA0;
	v40 =	vadd.s32 v2, v35;
	[tilespmem:s1+$0x0] =	vst v61;
	s1 =	sadd.s32 $0x14A00, s24;
	v42 =	vadd.f32 v49, v36;
	v37 =	vld.idx.msk [tilespmem:v52+s17+$0x0], $0xffff  }
.LBB2_3:
0xb4: {  	s15 =	sadd.s32 $0x2, s15;
	v49 =	vadd.s32 v4, v35;
	v48 =	vperm.xlane v19, v48;
	v50 =	vadd.s32 v4, v18  }
0xb5: {  	s0 =	sand.u32 $0x8, s13;
	s10 =	sor.u32 s20, s1;
	s2 =	smov.u32 s8;
	v51 =	vadd.s32 v5, v35;
	v38 =	vadd.s32 v6, v35;
	v59 =	vor.u32 $0x7, v9;
	v9 =	vmovc v13;
	[tilespmem:s4+$0x0] =	vst v43  }
0xb6: {  	s8 =	sshll.u32 s5, $0x4;
	v13 =	vmovc v21;
	v61 =	vadd.s32 v8, v35;
	s25 =	sadd.s32 $0x14B80, s25;
	v43 =	vmovc v11;
	v11 =	vmov v18;
	s13 =	sshrl.u32 s15, $0x3;
	v58 =	vmov s0;
	[tilespmem:s10+$0x0] =	vst v42  }
0xb7: {  	s4 =	sand.u32 $0x60, s3;
	s0 =	sand.u32 $0x3FFFFC00, s8;
	s8 =	sadd.s32 $0x14900, s7;
	v42 =	vperm.xlane v12, v59;
	v12 =	vadd.s32 v7, v35;
	v52 =	vld.idx.msk [tilespmem:v32+s17+$0x0], $0xffff;
	v44 =	vadd.f32 v44, v48  }
0xb8: {  	v18 =	vmovc v34;
	s10 =	sshll.u32 s12, $0xC;
	v32 =	vmov v47;
	v41 =	vld.idx.msk [tilespmem:v41+s17+$0x0], $0xffff;
	s12 =	sand.u32 $0x7, s13;
	s14 =	sor.u32 s22, s8;
	v33 =	vadd.f32 v33, v39;
	v47 =	vperm.xlane v28, v58  }
0xb9: {  	v62 =	vor.u32 $0x5, v9;
	v57 =	vor.u32 $0x3, v13;
	v46 =	vld.idx.msk [tilespmem:v46+s17+$0x0], $0xffff;
	s30 =	sadd.s32 s0, s10;
	v53 =	vadd.s32 v2, v18;
	s26 =	sor.u32 $0x10, s4;
	s10 =	sshll.u32 s12, $0x7;
	[tilespmem:s14+$0x0] =	vst v44  }
0xba: {  	p0 =	slt.u32 s15, $0xFE;
	v21 =	vmov v58;
	s5 =	sadd.s32 $0x14800, s30;
	v44 =	vld.idx.msk [tilespmem:v24+s17+$0x0], $0xffff;
	s0 =	sor.u32 s26, s10;
	[tilespmem:s11+$0x0] =	vst v33;
	v54 =	vadd.f32 v37, v42;
	v60 =	vadd.f32 v45, v47  }
0xbb: {  	s3 =	sadd.s32 $0x20, s3;
	s14 =	sor.u32 s29, s5;
	v33 =	vperm.xlane v10, v62;
	v37 =	vadd.s32 v7, v43;
	v24 =	vmovc v29;
	v29 =	vmov v51;
	v45 =	vld.idx.msk [tilespmem:v50+s17+$0x0], $0xffff;
	s0 =	smul.u32 $0x28, s0  }
0xbc: {  	s6 =	sor.u32 s4, s10;
	v51 =	vperm.xlane v19, v57;
	v39 =	vld.idx.msk [tilespmem:v17+s17+$0x0], $0xffff;
	v17 =	vmovc v20;
	v20 =	vmov v25;
	v25 =	vmov v12;
	[tilespmem:s14+$0x0] =	vst v60;
	s14 =	sor.u32 s23, s25;
	s23 =	sand.u32 $0x1FFFFFF8, s13  }
0xbd: {  	s8 =	sor.u32 s21, s8;
	s11 =	smul.u32 $0x28, s6;
	v12 =	vmov v10;
	v63 =	vadd.f32 v48, v52;
	v48 =	vld.idx.msk [tilespmem:v15+s17+$0x0], $0xffff;
	v41 =	vadd.f32 v41, v33;
	[tilespmem:s14+$0x0] =	vst v54;
	s0 =	sadd.s32 s23, s0  }
0xbe: {  	s10 =	sshrl.u32 s10, $0x2;
	s6 =	sor.u32 s28, s5;
	v15 =	vmovc v14;
	v52 =	vadd.s32 v5, v11;
	v14 =	vmovc v16;
	v46 =	vadd.f32 v47, v46;
	s14 =	sadd.s32 $0x14A80, s24;
	v50 =	vld.idx.msk [tilespmem:v53+s17+$0x0], $0xffff;
	v55 =	vmov s0  }
0xbf: {  	s5 =	smov.u32 s15;
	v16 =	vmovc v26;
	v26 =	vmovc v61;
	v61 =	vor.u32 $0x1, v21;
	s11 =	sadd.s32 s23, s11;
	[tilespmem:s8+$0x0] =	vst v63;
	s23 =	sor.u32 s20, s14;
	v63 =	vadd.s32 v3, v18;
	v59 =	vshrl.u32 v55, $0x3  }
0xc0: {  	p1 =	slt.u32 s5, $0x80;
	s0 =	sor.u32 s19, s1;
	v58 =	vmov s11;
	s11 =	sor.u32 s19, s14;
	v36 =	vadd.f32 v36, v44;
	v47 =	vld.idx.msk [tilespmem:v31+s17+$0x0], $0xffff;
	[tilespmem:s23+$0x0] =	vst v41;
	v31 =	vmovc v49;
	v60 =	vshll.u32 v59, v1  }
0xc1: {  	s8 =	sor.u32 s18, s25;
	s25 =	sadd.s32 $0x14980, s7;
	s18 =	smov.u32 s19;
	v62 =	vadd.f32 v45, v51;
	[tilespmem:s6+$0x0] =	vst v46;
	v49 =	vperm.xlane v28, v61;
	v37 =	vld.idx.msk [tilespmem:v37+s17+$0x0], $0xffff;
	v34 =	vbroadcast v60, $0x0  }
0xc2: {  	v10 =	vmovc v19;
	v19 =	vmovc v28;
	s14 =	rddreg [dreg:$0x4];
	s19 =	smov.u32 s21;
	s1 =	sor.u32 s22, s25;
	v46 =	vshrl.u32 v58, $0x3;
	v53 =	vld.idx.msk [tilespmem:v40+s17+$0x0], $0xffff;
	v40 =	vadd.f32 v30, v39;
	v30 =	vor.u32 $0x6, v9  }
0xc3: {  	s6 =	sor.u32 s21, s25;
	s21 =	smov.u32 s28;
	s23 =	sadd.s32 $0x14880, s30;
	v28 =	vshll.u32 v46, v1;
	[tilespmem:s1+$0x0] =	vst v62;
	v57 =	vadd.s32 v0, v34;
	v58 =	vadd.f32 v50, v49  }
0xc4: {  	s28 =	smov.u32 s4;
	[tilespmem:s0+$0x0] =	vst v36;
	s1 =	sadd.s32 s10, s14;
	s10 =	sor.u32 s29, s23;
	v30 =	vperm.xlane v12, v30;
	v60 =	vadd.s32 v8, v43;
	v59 =	vld.idx.msk [tilespmem:v52+s17+$0x0], $0xffff  }
.Ltmp0:
0xc5: {  	s25 =	smov.u32 s24;
	v41 =	vadd.s32 v6, v11;
	v35 =	vbroadcast v28, $0x0;
	v39 =	vld.idx.msk [tilespmem:v22+s17+$0x0], $0xffff;
	s0 =	sadd.s32 $0x10, s1;
	v61 =	vadd.f32 v51, v47;
	[tilespmem:s10+$0x0] =	vst v58;
	(pc) =	sbr.rel @p0 .LBB2_3-.Ltmp0, $4  }
0xc6: {  	s24 =	smov.u32 s7;
	v62 =	vadd.f32 v23, v48;
	s14 =	sadd.s32 $0x14B00, s25;
	[tilespmem:s9+$0x0] =	vst v40;
	s0 =	smov.u32 @p1 s1;
	v37 =	vadd.f32 v37, v30;
	v44 =	vld.idx.msk [tilespmem:v63+s17+$0x0], $0xffff;
	v63 =	vor.u32 $0x4, v13  }
0xc7: {  	s7 =	smov.u32 s30;
	s4 =	sor.u32 s21, s23;
	v22 =	vmovc v27;
	v27 =	vmov v38;
	s23 =	sor.u32 s20, s14;
	v46 =	vadd.s32 v0, v35;
	v28 =	vld [tilespmem:s0+$0x0];
	[tilespmem:s6+$0x0] =	vst v61;
	v36 =	vperm.xlane v10, v63  }
0xc8: {  	v23 =	vmov v42;
	s9 =	sor.u32 s18, s14;
	v40 =	vadd.s32 v2, v35;
	s1 =	sadd.s32 $0x14A00, s24;
	v47 =	vadd.s32 v3, v35;
	v45 =	vld.idx.msk [tilespmem:v57+s17+$0x0], $0xffff;
	[tilespmem:s23+$0x0] =	vst v37;
	s23 =	smov.u32 s20  }
0xc9: {  	v48 =	vor.u32 $0x2, v21;
	v43 =	vadd.f32 v49, v53;
	[tilespmem:s2+$0x0] =	vst v62;
	s20 =	smov.u32 s22;
	s22 =	smov.u32 s29;
	s29 =	smov.u32 s26;
	v42 =	vadd.f32 v59, v36;
	v37 =	vld.idx.msk [tilespmem:v60+s17+$0x0], $0xffff  }
0xca: {  	_ = 	snop  }
0xcb: {  	s0 =	sand.u32 $0x8, s13  }
0xcc: {  	s6 =	sshll.u32 s5, $0x4;
	v38 =	vmov s0  }
0xcd: {  	s2 =	sshll.u32 s12, $0xC;
	v50 =	vadd.s32 v2, v34;
	s0 =	sand.u32 $0x3FFFFC00, s6;
	v49 =	vperm.xlane v28, v38  }
0xce: {  	v46 =	vld.idx.msk [tilespmem:v46+s17+$0x0], $0xffff;
	s12 =	sadd.s32 s0, s2  }
0xcf: {  	s0 =	sadd.s32 $0x14800, s12;
	v45 =	vadd.f32 v45, v49  }
0xd0: {  	s10 =	sor.u32 s29, s0  }
0xd1: {  	[tilespmem:s10+$0x0] =	vst v45  }
0xd2: {  	v63 =	vld.idx.msk [tilespmem:v50+s17+$0x0], $0xffff  }
0xd3: {  	v62 =	vadd.f32 v49, v46  }
0xd4: {  	v51 =	vor.u32 $0x1, v38;
	s0 =	sor.u32 s28, s0  }
0xd5: {  	v52 =	vadd.s32 v3, v34;
	v45 =	vperm.xlane v28, v51;
	[tilespmem:s0+$0x0] =	vst v62  }
0xd6: {  	v40 =	vld.idx.msk [tilespmem:v40+s17+$0x0], $0xffff  }
0xd7: {  	s13 =	sadd.s32 $0x14880, s12;
	v46 =	vadd.f32 v63, v45  }
0xd8: {  	s14 =	sor.u32 s29, s13  }
0xd9: {  	[tilespmem:s14+$0x0] =	vst v46  }
0xda: {  	v53 =	vld.idx.msk [tilespmem:v52+s17+$0x0], $0xffff  }
0xdb: {  	v40 =	vadd.f32 v45, v40  }
0xdc: {  	v54 =	vperm.xlane v19, v48;
	v55 =	vadd.s32 v4, v18;
	[tilespmem:s4+$0x0] =	vst v43;
	v56 =	vor.u32 $0x2, v38;
	s0 =	sor.u32 s28, s13  }
0xdd: {  	v57 =	vadd.s32 v4, v34;
	v32 =	vld.idx.msk [tilespmem:v32+s17+$0x0], $0xffff;
	[tilespmem:s0+$0x0] =	vst v40;
	v40 =	vperm.xlane v28, v56  }
0xde: {  	s15 =	sadd.s32 $0x14900, s7;
	v44 =	vadd.f32 v44, v54;
	v47 =	vld.idx.msk [tilespmem:v47+s17+$0x0], $0xffff  }
0xdf: {  	s26 =	sor.u32 s22, s15;
	s30 =	sadd.s32 $0x14900, s12;
	v43 =	vadd.f32 v53, v40  }
0xe0: {  	[tilespmem:s26+$0x0] =	vst v44;
	s3 =	sor.u32 s29, s30  }
0xe1: {  	v58 =	vadd.s32 v4, v35;
	v44 =	vld.idx.msk [tilespmem:v55+s17+$0x0], $0xffff;
	[tilespmem:s3+$0x0] =	vst v43  }
0xe2: {  	v32 =	vadd.f32 v54, v32;
	v60 =	vld.idx.msk [tilespmem:v57+s17+$0x0], $0xffff  }
0xe3: {  	v59 =	vor.u32 $0x3, v21;
	s0 =	sor.u32 s21, s15;
	v40 =	vadd.f32 v40, v47  }
0xe4: {  	v61 =	vadd.s32 v5, v18;
	v24 =	vld.idx.msk [tilespmem:v24+s17+$0x0], $0xffff;
	s4 =	sor.u32 s28, s30;
	v62 =	vor.u32 $0x3, v38;
	[tilespmem:s0+$0x0] =	vst v32;
	v43 =	vperm.xlane v19, v59  }
0xe5: {  	v52 =	vadd.s32 v5, v34;
	v31 =	vld.idx.msk [tilespmem:v31+s17+$0x0], $0xffff;
	[tilespmem:s4+$0x0] =	vst v40;
	v40 =	vperm.xlane v28, v62  }
0xe6: {  	s5 =	sadd.s32 $0x14980, s7;
	v63 =	vld.idx.msk [tilespmem:v58+s17+$0x0], $0xffff;
	v44 =	vadd.f32 v44, v43  }
0xe7: {  	s6 =	sor.u32 s22, s5;
	s10 =	sadd.s32 $0x14980, s12;
	v32 =	vadd.f32 v60, v40  }
0xe8: {  	s13 =	sor.u32 s29, s10;
	[tilespmem:s6+$0x0] =	vst v44  }
0xe9: {  	s15 =	sor.u32 s20, s1;
	v53 =	vadd.s32 v5, v35;
	v44 =	vld.idx.msk [tilespmem:v61+s17+$0x0], $0xffff;
	[tilespmem:s13+$0x0] =	vst v32  }
0xea: {  	v55 =	vor.u32 $0x4, v21;
	[tilespmem:s15+$0x0] =	vst v42;
	v31 =	vadd.f32 v43, v31;
	v56 =	vld.idx.msk [tilespmem:v52+s17+$0x0], $0xffff  }
0xeb: {  	v24 =	vadd.f32 v36, v24;
	s0 =	sor.u32 s21, s5;
	v41 =	vld.idx.msk [tilespmem:v41+s17+$0x0], $0xffff;
	v59 =	vor.u32 $0x4, v38;
	v54 =	vadd.f32 v40, v63  }
0xec: {  	s14 =	sor.u32 s28, s10;
	v57 =	vadd.s32 v6, v18;
	v62 =	vadd.s32 v6, v34;
	[tilespmem:s0+$0x0] =	vst v31;
	v40 =	vperm.xlane v19, v55  }
0xed: {  	v58 =	vadd.f32 v33, v39;
	v33 =	vperm.xlane v28, v59;
	v29 =	vld.idx.msk [tilespmem:v29+s17+$0x0], $0xffff;
	[tilespmem:s14+$0x0] =	vst v54  }
0xee: {  	s26 =	sadd.s32 $0x14A00, s7;
	s3 =	sor.u32 s19, s1;
	v60 =	vld.idx.msk [tilespmem:v53+s17+$0x0], $0xffff;
	v61 =	vadd.f32 v44, v40  }
0xef: {  	s30 =	sor.u32 s22, s26;
	s4 =	sadd.s32 $0x14A00, s12;
	[tilespmem:s3+$0x0] =	vst v24;
	v31 =	vadd.f32 v56, v33  }
0xf0: {  	v48 =	vadd.s32 v6, v35;
	s5 =	sor.u32 s29, s4;
	v22 =	vld.idx.msk [tilespmem:v22+s17+$0x0], $0xffff;
	v63 =	vor.u32 $0x5, v13;
	[tilespmem:s30+$0x0] =	vst v61  }
0xf1: {  	v50 =	vadd.s32 v7, v11;
	v49 =	vperm.xlane v10, v63;
	v51 =	vld.idx.msk [tilespmem:v57+s17+$0x0], $0xffff;
	[tilespmem:s5+$0x0] =	vst v31  }
0xf2: {  	[tilespmem:s11+$0x0] =	vst v58;
	v58 =	vadd.s32 v7, v34;
	v29 =	vadd.f32 v40, v29;
	v55 =	vld.idx.msk [tilespmem:v62+s17+$0x0], $0xffff  }
0xf3: {  	s0 =	sor.u32 s21, s26;
	v59 =	vld.idx.msk [tilespmem:v17+s17+$0x0], $0xffff;
	v54 =	vor.u32 $0x5, v21;
	v53 =	vadd.f32 v41, v49;
	v52 =	vadd.f32 v33, v60  }
0xf4: {  	v15 =	vld.idx.msk [tilespmem:v15+s17+$0x0], $0xffff;
	s10 =	sor.u32 s28, s4;
	s6 =	sadd.s32 $0x14A80, s24;
	v39 =	vperm.xlane v19, v54;
	[tilespmem:s0+$0x0] =	vst v29;
	v57 =	vor.u32 $0x5, v38;
	v56 =	vadd.s32 v7, v18  }
0xf5: {  	s11 =	sor.u32 s20, s6;
	v27 =	vld.idx.msk [tilespmem:v27+s17+$0x0], $0xffff;
	v60 =	vadd.f32 v49, v22;
	v31 =	vperm.xlane v28, v57;
	[tilespmem:s10+$0x0] =	vst v52  }
0xf6: {  	v9 =	vor.u32 $0x7, v9;
	s1 =	sor.u32 s19, s6;
	s13 =	sadd.s32 $0x14A80, s7;
	[tilespmem:s11+$0x0] =	vst v53;
	v32 =	vld.idx.msk [tilespmem:v48+s17+$0x0], $0xffff;
	v24 =	vadd.f32 v51, v39  }
0xf7: {  	v9 =	vperm.xlane v12, v9;
	s15 =	sadd.s32 $0x14A80, s12;
	s14 =	sor.u32 s22, s13;
	v33 =	vld.idx.msk [tilespmem:v50+s17+$0x0], $0xffff;
	[tilespmem:s1+$0x0] =	vst v60;
	v63 =	vadd.f32 v55, v31  }
0xf8: {  	v11 =	vadd.s32 v8, v11;
	s26 =	sor.u32 s29, s15;
	v12 =	vadd.f32 v30, v59;
	v20 =	vld.idx.msk [tilespmem:v20+s17+$0x0], $0xffff;
	[tilespmem:s14+$0x0] =	vst v24  }
0xf9: {  	v43 =	vadd.f32 v37, v9;
	v61 =	vadd.s32 v7, v35;
	s30 =	sadd.s32 $0x14B80, s25;
	v62 =	vor.u32 $0x6, v13;
	v40 =	vld.idx.msk [tilespmem:v56+s17+$0x0], $0xffff;
	[tilespmem:s26+$0x0] =	vst v63  }
0xfa: {  	v45 =	vor.u32 $0x6, v21;
	[tilespmem:s9+$0x0] =	vst v12;
	s3 =	sor.u32 s23, s30;
	v36 =	vperm.xlane v10, v62;
	v27 =	vadd.f32 v39, v27;
	v46 =	vld.idx.msk [tilespmem:v58+s17+$0x0], $0xffff  }
0xfb: {  	v47 =	vadd.s32 v8, v18;
	s0 =	sor.u32 s21, s13;
	[tilespmem:s3+$0x0] =	vst v43;
	v49 =	vadd.s32 v8, v34;
	v42 =	vadd.f32 v31, v32  }
0xfc: {  	s2 =	sor.u32 s28, s15;
	s4 =	sadd.s32 $0x14B00, s24;
	v14 =	vld.idx.msk [tilespmem:v14+s17+$0x0], $0xffff;
	v48 =	vor.u32 $0x6, v38;
	v44 =	vadd.f32 v33, v36;
	[tilespmem:s0+$0x0] =	vst v27;
	v33 =	vperm.xlane v19, v45  }
0xfd: {  	s5 =	sor.u32 s20, s4;
	v24 =	vperm.xlane v28, v48;
	v25 =	vld.idx.msk [tilespmem:v25+s17+$0x0], $0xffff;
	v50 =	vadd.f32 v36, v20;
	[tilespmem:s2+$0x0] =	vst v42  }
0xfe: {  	s6 =	sadd.s32 $0x14B00, s7;
	s3 =	sor.u32 s19, s4;
	[tilespmem:s5+$0x0] =	vst v44;
	v22 =	vld.idx.msk [tilespmem:v61+s17+$0x0], $0xffff;
	v17 =	vadd.f32 v40, v33  }
0xff: {  	s9 =	sor.u32 s22, s6;
	s10 =	sadd.s32 $0x14B00, s12;
	v11 =	vld.idx.msk [tilespmem:v11+s17+$0x0], $0xffff;
	[tilespmem:s3+$0x0] =	vst v50;
	v52 =	vadd.f32 v46, v24  }
0x100: {  	v15 =	vadd.f32 v23, v15;
	s11 =	sor.u32 s29, s10;
	v56 =	vld.idx.msk [tilespmem:v16+s17+$0x0], $0xffff;
	[tilespmem:s9+$0x0] =	vst v17  }
0x101: {  	v53 =	vor.u32 $0x7, v13;
	v51 =	vadd.s32 v8, v35;
	v9 =	vadd.f32 v9, v14;
	v54 =	vld.idx.msk [tilespmem:v47+s17+$0x0], $0xffff;
	[tilespmem:s11+$0x0] =	vst v52  }
0x102: {  	[tilespmem:s8+$0x0] =	vst v15;
	s1 =	sor.u32 s18, s30;
	v10 =	vperm.xlane v10, v53;
	v55 =	vadd.f32 v33, v25;
	v59 =	vld.idx.msk [tilespmem:v49+s17+$0x0], $0xffff  }
0x103: {  	s0 =	sor.u32 s21, s6;
	[tilespmem:s1+$0x0] =	vst v9;
	v58 =	vor.u32 $0x7, v21;
	v57 =	vadd.f32 v24, v22  }
0x104: {  	s13 =	sor.u32 s28, s10;
	s14 =	sadd.s32 $0x14B80, s24;
	v61 =	vor.u32 $0x7, v38;
	[tilespmem:s0+$0x0] =	vst v55;
	v11 =	vadd.f32 v11, v10;
	v17 =	vperm.xlane v19, v58  }
0x105: {  	s15 =	sor.u32 s20, s14;
	v63 =	vperm.xlane v28, v61;
	v60 =	vld.idx.msk [tilespmem:v26+s17+$0x0], $0xffff;
	v9 =	vadd.f32 v10, v56;
	[tilespmem:s13+$0x0] =	vst v57  }
0x106: {  	s18 =	sadd.s32 $0x14B80, s7;
	s2 =	sor.u32 s19, s14;
	[tilespmem:s15+$0x0] =	vst v11;
	v62 =	vld.idx.msk [tilespmem:v51+s17+$0x0], $0xffff;
	v11 =	vadd.f32 v54, v17  }
0x107: {  	s20 =	sor.u32 s22, s18;
	s22 =	sadd.s32 $0x14B80, s12;
	[tilespmem:s2+$0x0] =	vst v9;
	v10 =	vadd.f32 v59, v63  }
0x108: {  	s24 =	sshll.u32 s16, $0x14;
	s16 =	sadd.s32 $0x1, s16;
	s23 =	sor.u32 s29, s22;
	[tilespmem:s20+$0x0] =	vst v11  }
0x109: {  	p0 =	sne.s32 s16, $0x19;
	[tilespmem:s23+$0x0] =	vst v10  }
.Ltmp1:
0x10a: {  	v9 =	vadd.f32 v17, v60;
	s2 =	rddreg [dreg:$0x5];
	(pc) =	sbr.rel @p0 .LBB2_2-.Ltmp1, $4  }
0x10b: {  	s30 =	simm.s32 $0x14800;
	s0 =	sor.u32 s21, s18;
	v10 =	vadd.f32 v63, v62;
	s2 =	sor.u32 s2, s24  }
0x10c: {  	s1 =	sor.u32 s28, s22;
	s26 =	rddreg [dreg:$0x2];
	[tilespmem:s0+$0x0] =	vst v9;
	s25 =	sshrl.u32 s2, $0x3  }
0x10d: {  	s28 =	simm.s32 $0x8000;
	s29 =	simm.s32 $0x400;
	[tilespmem:s1+$0x0] =	vst v10;
	s0 =	sadd.s32 s26, s25  }
0x10e: {  	[hbm4b:s0+s29] =	stream.strided.scatter [tilespmem:s30], [sflag:$0x3], $0x8000, s28, s29, $0x38;
	[tilespmem:$0x1E100] =	vst v63  }
0x10f: {  	s0 =	simm.s32 $0x3  }
0x110: {  	_ =	swait.ge [sflag:s0], $0x8000  }
0x111: {  	[sflag:s0] =	ssyncset.done $0x0  }
0x112: {  	s29 =	simm.s32 $0x1;
	[sflag:s0] =	ssyncadd.s32 $0xFFFF8000  }
0x113: {  	_ =	swait.ge [sflag:s29], $0x400  }
0x114: {  	[sflag:s29] =	ssyncset.done $0x0  }
0x115: {  	[sflag:s29] =	ssyncadd.s32 $0xFFFFFC00  }
0x116: {  	_ =	swait.ge [sflag:s31], $0x1400  }
0x117: {  	[sflag:s31] =	ssyncset.done $0x0  }
0x118: {  	[sflag:s31] =	ssyncadd.s32 $0xFFFFEC00  }
0x119: {  	_ =	swait.ge [sflag:s31], $0x1400  }
0x11a: {  	[sflag:s31] =	ssyncset.done $0x0  }
0x11b: {  	[sflag:s31] =	ssyncadd.s32 $0xFFFFEC00  }
0x11c: {  	_ =	swait.ge [sflag:s31], $0x1400  }
0x11d: {  	[sflag:s31] =	ssyncset.done $0x0  }
0x11e: {  	[sflag:s31] =	ssyncadd.s32 $0xFFFFEC00  }
0x11f: {  	_ =	swait.ge [sflag:s31], $0x1400  }
0x120: {  	[sflag:s31] =	ssyncset.done $0x0  }
0x121: {  	[sflag:s31] =	ssyncadd.s32 $0xFFFFEC00  }
0x122: {  	_ =	swait.ge [sflag:s31], $0x1400  }
0x123: {  	[sflag:s31] =	ssyncset.done $0x0  }
0x124: {  	[sflag:s31] =	ssyncadd.s32 $0xFFFFEC00  }
0x125: {  	_ =	swait.ge [sflag:s31], $0x1400  }
0x126: {  	[sflag:s31] =	ssyncset.done $0x0  }
0x127: {  	[sflag:s31] =	ssyncadd.s32 $0xFFFFEC00  }
0x128: {  	_ =	swait.ge [sflag:s31], $0x1400  }
0x129: {  	[sflag:s31] =	ssyncset.done $0x0  }
0x12a: {  	[sflag:s31] =	ssyncadd.s32 $0xFFFFEC00  }
0x12b: {  	_ =	swait.ge [sflag:s31], $0x1400  }
0x12c: {  	s1 =	rddreg [dreg:$0xc]  }
0x12d: {  	s30 =	rddreg [dreg:$0xb];
	s1 =	sadd.s32 $0x1, s1  }
0x12e: {  	p0 =	sne.s32 s1, s30  }
.Ltmp2:
0x12f: {  	_ = 	snop;
	(pc) =	sbr.rel @p0 .LBB2_1-.Ltmp2, $3  }
0x130: {  	_ =	sdelay $0x1  }
0x131: {  	[sflag:s31] =	ssyncset.done $0x0  }
0x132: {  	[sflag:s31] =	ssyncadd.s32 $0xFFFFEC00  }
0x133: {  	_ =	sfence.sel $0x180000  }
0x134: {  	[bflag:$0x0] =	sbarrier.arrive $0xFFFF  }
0x135: {  	_ =	strace $0x90000047  }
0x136: {  	s0 =	stileid.u32;
	[bflag:$0x2] =	sbarrier.arrive $0xFFFF  }
0x137: {  	p0 =	sne.s32 s0, $0x0;
	s0 =	rddreg [dreg:$0x3]  }
0x138: {  	s0 =	sadd.s32 @!p0 $0x100000, s0  }
0x139: {  	[sflag:s0] =	ssyncadd.tile.s32 @!p0 $0x1;
	_ =	shalt  }
.Lfunc_end2:
_tile_overlayer_lowered:
.L_overlay_start_2:
0x13a: {  	(tag) =	ssettag $0x2  }
0x13b: {  	s0 =	rddreg [dreg:$0x0];
	s2 =	stileid.u32  }
0x13c: {  	s1 =	rddreg [dreg:$0x1];
	p0 =	sne.s32 s2, $0x0  }
0x13d: {  	s3 =	rddreg [dreg:$0x2];
	[bflag:$0x3] =	sbarrier.arrive $0xFFFF;
	s2 =	simm.s32 @!p0 $0x1C04  }
0x13e: {  	[timem:s3], [sflag:s2] =	dma.local @!p0 [hbm:s0], s1  }
0x13f: {  	s0 =	simm.s32 @!p0 $0x4  }
0x140: {  	_ =	swait.ge @!p0 [sflag:s0], s1  }
0x141: {  	s1 =	ssub.s32 @!p0 $0x0, s1;
	[sflag:s0] =	ssyncset.done @!p0 $0x0  }
0x142: {  	[sflag:s0] =	ssyncadd.s32 @!p0 s1  }
0x143: {  	[bflag:$0x3] =	sbarrier.arrive $0xFFFF  }
0x144: {  	_ =	shalt  }

</sc_bundles>
